<compile_context>
chip_gen: v7x
topology: tpu7x:2x2x1
jax: 0.10.2.dev20260603
libtpu: 0.0.44.dev20260713+nightly
codegen_flags: <defaults>
</compile_context>

<pallas_src>
import functools

import jax
import jax.numpy as jnp
from jax import lax
from jax.experimental import pallas as pl
from jax.experimental.pallas import tpu as pltpu
from jax.experimental.pallas import tpu_sc as plsc

N_NODES = 10000
N_EDGES = 320000
NUM_KERNELS = 4
NUM_POWERS = 3
HID = 64
NUM_GRAPHS = 16
KMEANS_MAX_ITER = 300
KMEANS_TOL = 1e-4

EDGE_CHUNK = 6400

NC = 2
NS = 16
L = 16
NW = NC * NS
EPW = N_EDGES // NW
ESTEPS = EPW // L


def _sc_mesh():
    return plsc.VectorSubcoreMesh(core_axis_name="c", subcore_axis_name="s")


def _sc_edge_gather_body(v_hbm, src_hbm, dst_hbm, ones_hbm, zeros_hbm,
                         a_hbm, s_hbm, degp_hbm,
                         sidx, didx, abuf, sbuf, ones, degsh, sem):
    c = lax.axis_index("c")
    s = lax.axis_index("s")
    wid = s * NC + c
    base = wid * EPW
    pltpu.sync_copy(src_hbm.at[pl.ds(base, EPW)], sidx)
    pltpu.sync_copy(dst_hbm.at[pl.ds(base, EPW)], didx)
    pltpu.sync_copy(ones_hbm, ones)

    @pl.when(s == 0)
    def _():
        pltpu.sync_copy(zeros_hbm, degsh)
    plsc.subcore_barrier()

    pltpu.async_copy(v_hbm.at[didx], abuf, sem).wait()
    pltpu.async_copy(v_hbm.at[sidx], sbuf, sem).wait()
    pltpu.sync_copy(abuf, a_hbm.at[pl.ds(base, EPW)])
    pltpu.sync_copy(sbuf, s_hbm.at[pl.ds(base, EPW)])

    pltpu.sync_copy(ones, degsh.at[sidx], add=True)
    plsc.subcore_barrier()

    @pl.when(s == 0)
    def _():
        pltpu.sync_copy(degsh, degp_hbm.at[c])


def _sc_edge_gather(v, src, dst):
    ones = jnp.ones((EPW,), jnp.float32)
    zeros = jnp.zeros((N_NODES,), jnp.float32)
    kfn = functools.partial(
        pl.kernel,
        mesh=_sc_mesh(),
        out_type=[
            jax.ShapeDtypeStruct((N_EDGES,), jnp.float32),
            jax.ShapeDtypeStruct((N_EDGES,), jnp.float32),
            jax.ShapeDtypeStruct((NC, N_NODES), jnp.float32),
        ],
        scratch_types=[
            pltpu.VMEM((EPW,), jnp.int32),
            pltpu.VMEM((EPW,), jnp.int32),
            pltpu.VMEM((EPW,), jnp.float32),
            pltpu.VMEM((EPW,), jnp.float32),
            pltpu.VMEM((EPW,), jnp.float32),
            pltpu.VMEM_SHARED((N_NODES,), jnp.float32),
            pltpu.SemaphoreType.DMA,
        ],
    )
    return kfn(_sc_edge_gather_body)(v, src, dst, ones, zeros)


def _sc_edge_combine_body(q_hbm, assign_hbm, deg_hbm, src_hbm, dst_hbm, zeros_hbm,
                          outp_hbm,
                          sidx, didx, q0b, q1b, q2b, q3b, ksb, kdb, degb, nbuf,
                          accsh, assignsh, degsh, sem):
    c = lax.axis_index("c")
    s = lax.axis_index("s")
    wid = s * NC + c
    base = wid * EPW
    pltpu.sync_copy(src_hbm.at[pl.ds(base, EPW)], sidx)
    pltpu.sync_copy(dst_hbm.at[pl.ds(base, EPW)], didx)
    pltpu.sync_copy(q_hbm.at[0].at[wid], q0b)
    pltpu.sync_copy(q_hbm.at[1].at[wid], q1b)
    pltpu.sync_copy(q_hbm.at[2].at[wid], q2b)
    pltpu.sync_copy(q_hbm.at[3].at[wid], q3b)

    @pl.when(s == 0)
    def _():
        pltpu.sync_copy(zeros_hbm, accsh)
        pltpu.sync_copy(assign_hbm, assignsh)
        pltpu.sync_copy(deg_hbm, degsh)
    plsc.subcore_barrier()

    pltpu.async_copy(assignsh.at[sidx], ksb, sem).wait()
    pltpu.async_copy(assignsh.at[didx], kdb, sem).wait()
    pltpu.async_copy(degsh.at[sidx], degb, sem).wait()

    def step(i, _):
        sl = pl.ds(i * L, L)
        ks = ksb[sl]
        kd = kdb[sl]
        degs = degb[sl]
        q = q0b[sl]
        q = jnp.where(ks == 1, q1b[sl], q)
        q = jnp.where(ks == 2, q2b[sl], q)
        q = jnp.where(ks == 3, q3b[sl], q)
        combined = jnp.where(ks == kd, q, jnp.zeros((L,), jnp.float32))
        nbuf[sl] = combined / degs
        return 0

    lax.fori_loop(0, ESTEPS, step, 0)

    plsc.subcore_barrier()
    pltpu.sync_copy(nbuf, accsh.at[didx], add=True)
    plsc.subcore_barrier()

    @pl.when(s == 0)
    def _():
        pltpu.sync_copy(accsh, outp_hbm.at[c])


def _sc_edge_combine(q4, assignments, deg, src, dst):
    zeros = jnp.zeros((N_NODES,), jnp.float32)
    kfn = functools.partial(
        pl.kernel,
        mesh=_sc_mesh(),
        out_type=jax.ShapeDtypeStruct((NC, N_NODES), jnp.float32),
        scratch_types=[
            pltpu.VMEM((EPW,), jnp.int32),
            pltpu.VMEM((EPW,), jnp.int32),
            pltpu.VMEM((EPW,), jnp.float32),
            pltpu.VMEM((EPW,), jnp.float32),
            pltpu.VMEM((EPW,), jnp.float32),
            pltpu.VMEM((EPW,), jnp.float32),
            pltpu.VMEM((EPW,), jnp.int32),
            pltpu.VMEM((EPW,), jnp.int32),
            pltpu.VMEM((EPW,), jnp.float32),
            pltpu.VMEM((EPW,), jnp.float32),
            pltpu.VMEM_SHARED((N_NODES,), jnp.float32),
            pltpu.VMEM_SHARED((N_NODES,), jnp.int32),
            pltpu.VMEM_SHARED((N_NODES,), jnp.float32),
            pltpu.SemaphoreType.DMA,
        ],
    )
    return kfn(_sc_edge_combine_body)(q4, assignments, deg, src, dst, zeros)


def _edge_mlp_body(a_ref, s_ref, W1_ref, b1_ref, W2_ref, b2_ref, eat_ref,
                   cw_ref, Aq_ref, out_ref, q_ref):
    a = a_ref[...]
    b = s_ref[...] - a
    W1 = W1_ref[...]
    h = a * W1[0:1, :] + b * W1[1:2, :] + b1_ref[...]
    h = jnp.maximum(h, 0.0)
    h = jnp.dot(h, W2_ref[...], preferred_element_type=jnp.float32, precision=lax.Precision.HIGHEST) + b2_ref[...]
    out_ref[...] = jnp.maximum(h, 0.0)
    p = jnp.dot(cw_ref[...], eat_ref[...], preferred_element_type=jnp.float32, precision=lax.Precision.HIGHEST)
    p1 = p[1:2, :]
    p2 = p[2:3, :]
    l1 = jnp.where(p1 >= 0.0, p1, 0.1 * p1)
    l2 = jnp.where(p2 >= 0.0, p2, 0.1 * p2)
    lmat = jnp.concatenate([p[0:1, :], l1, l2 * l2], axis=0)
    q_ref[...] = jnp.dot(Aq_ref[...], lmat, preferred_element_type=jnp.float32, precision=lax.Precision.HIGHEST)


def _edge_mlp(a, s, W1, b1, W2, b2, eat, cw, Aq):
    grid = (N_EDGES // EDGE_CHUNK,)
    return pl.pallas_call(
        _edge_mlp_body,
        grid=grid,
        in_specs=[
            pl.BlockSpec((EDGE_CHUNK, 1), lambda i: (i, 0)),
            pl.BlockSpec((EDGE_CHUNK, 1), lambda i: (i, 0)),
            pl.BlockSpec((2, HID), lambda i: (0, 0)),
            pl.BlockSpec((1, HID), lambda i: (0, 0)),
            pl.BlockSpec((HID, HID), lambda i: (0, 0)),
            pl.BlockSpec((1, HID), lambda i: (0, 0)),
            pl.BlockSpec((2, EDGE_CHUNK), lambda i: (0, i)),
            pl.BlockSpec((NUM_POWERS, 2), lambda i: (0, 0)),
            pl.BlockSpec((NUM_KERNELS, NUM_POWERS), lambda i: (0, 0)),
        ],
        out_specs=[
            pl.BlockSpec((EDGE_CHUNK, HID), lambda i: (i, 0)),
            pl.BlockSpec((NUM_KERNELS, EDGE_CHUNK), lambda i: (0, i)),
        ],
        out_shape=[
            jax.ShapeDtypeStruct((N_EDGES, HID), jnp.float32),
            jax.ShapeDtypeStruct((NUM_KERNELS, N_EDGES), jnp.float32),
        ],
    )(a, s, W1, b1, W2, b2, eat, cw, Aq)


def _pool_body(outp_ref, batch_ref, Wfc_ref, bfc_ref, out_ref):
    no = outp_ref[0:1, :] + outp_ref[1:2, :]
    h5 = jnp.maximum(no, 0.0)
    gid = lax.broadcasted_iota(jnp.int32, (NUM_GRAPHS, 1), 0)
    oh = (batch_ref[...] == gid).astype(jnp.float32)
    sums = jnp.sum(oh * h5, axis=1, keepdims=True)
    counts = jnp.sum(oh, axis=1, keepdims=True)
    pooled = sums / jnp.maximum(counts, 1.0)
    out_ref[...] = pooled * Wfc_ref[0, 0] + bfc_ref[0, 0]


def _pool(outp, batch, W_fc, b_fc):
    return pl.pallas_call(
        _pool_body,
        out_shape=jax.ShapeDtypeStruct((NUM_GRAPHS, 1), jnp.float32),
    )(outp, batch.reshape(1, N_NODES), W_fc, b_fc.reshape(1, 1))


def _kmeans_body(x_ref, xt_ref, c0_ref, out_ref):
    X = x_ref[...]
    XT = xt_ref[...]
    x2t = jnp.sum(XT * XT, axis=0, keepdims=True)

    def cond_fn(state):
        _c, i, done = state
        return (i < KMEANS_MAX_ITER) & jnp.logical_not(done)

    def body_fn(state):
        C, i, _done = state
        c2 = jnp.sum(C * C, axis=1, keepdims=True)
        XCt = jnp.dot(C, XT, preferred_element_type=jnp.float32, precision=lax.Precision.HIGHEST)
        d2 = jnp.maximum(x2t + c2 - 2.0 * XCt, 0.0)
        bv = d2[0:1, :]
        bi = jnp.zeros((1, N_NODES), jnp.int32)
        for j in range(1, NUM_KERNELS):
            take = d2[j:j + 1, :] < bv
            bv = jnp.where(take, d2[j:j + 1, :], bv)
            bi = jnp.where(take, j, bi)
        out_ref[...] = bi
        onehot = (bi == lax.broadcasted_iota(jnp.int32, (NUM_KERNELS, 1), 0)).astype(jnp.float32)
        sums = jnp.dot(onehot, X, preferred_element_type=jnp.float32, precision=lax.Precision.HIGHEST)
        counts = jnp.sum(onehot, axis=1, keepdims=True)
        new_c = sums / jnp.maximum(counts, 1.0)
        done = jnp.sqrt(jnp.sum((new_c - C) ** 2)) < KMEANS_TOL
        C = jnp.where(done, C, new_c)
        return C, i + 1, done

    C0 = c0_ref[...]
    state = (C0, jnp.int32(0), jnp.bool_(False))
    lax.while_loop(cond_fn, body_fn, state)


def _kmeans(X, key):
    init_idx = jax.random.randint(key, (NUM_KERNELS,), 0, X.shape[0])
    c0 = X[init_idx]
    out = pl.pallas_call(
        _kmeans_body,
        out_shape=jax.ShapeDtypeStruct((1, N_NODES), jnp.int32),
    )(X, X.T, c0)
    return out[0]


def kernel(x, edge_index, edge_attr, batch, W_similar, b_similar, W_ec1, b_ec1,
           W_ec2, b_ec2, conv_w, alpha, W_fc, b_fc):
    src = edge_index[0]
    dst = edge_index[1]

    v = jnp.maximum(x @ (W_similar[:2] + W_similar[2:]) + b_similar, 0.0)

    a, svals, degp = _sc_edge_gather(v[:, 0], src, dst)
    deg = degp[0] + degp[1]

    Aq = alpha[:, :, 0, 0]
    h, q4 = _edge_mlp(a[:, None], svals[:, None], W_ec1, b_ec1.reshape(1, HID),
                      W_ec2, b_ec2.reshape(1, HID), edge_attr.T,
                      conv_w[:, :, 0], Aq)
    x_sim = jnp.zeros((N_NODES, HID), jnp.float32).at[dst].max(
        h, mode="promise_in_bounds", unique_indices=False, indices_are_sorted=False)

    assignments = _kmeans(x_sim, jax.random.key(42))

    outp = _sc_edge_combine(q4.reshape(NUM_KERNELS, NW, EPW), assignments, deg, src, dst)

    return _pool(outp, batch, W_fc, b_fc)

# --- scband reference (transcript-rebuilt; emitter-appended) ---
"""Pipeline reference for scband-ellipse-area-network-28767690948632 (READ-ONLY COPY).

The authoritative reference and input builder live on the scoring server;
editing this copy changes nothing except your own understanding.
"""

import jax, jax.numpy as jnp
import numpy as np

N_NODES = 10000
N_EDGES = 320000
IN_CH = 2
OUT_CH = 1
NUM_KERNELS = 4
NUM_POWERS = 3
HID = 64
NUM_GRAPHS = 16
KMEANS_MAX_ITER = 300
KMEANS_TOL = 1e-4


def kmeans_jax(X, n_clusters, key, max_iter=KMEANS_MAX_ITER, tol=KMEANS_TOL):
    n = X.shape[0]
    init_idx = jax.random.randint(key, (n_clusters,), 0, n)
    centroids = X[init_idx]
    assignments = jnp.zeros((n,), dtype=jnp.int32)

    def cond_fn(state):
        _centroids, _assignments, i, done = state
        return (i < max_iter) & jnp.logical_not(done)

    def body_fn(state):
        centroids, _assignments, i, _done = state
        x2 = jnp.sum(X * X, axis=1, keepdims=True)
        c2 = jnp.sum(centroids * centroids, axis=1)[None, :]
        d2 = jnp.maximum(x2 + c2 - 2.0 * (X @ centroids.T), 0.0)
        assignments = jnp.argmin(d2, axis=1).astype(jnp.int32)
        sums = jax.ops.segment_sum(X, assignments, num_segments=n_clusters)
        counts = jax.ops.segment_sum(jnp.ones((n,), X.dtype), assignments, num_segments=n_clusters)
        new_centroids = sums / jnp.maximum(counts, 1.0)[:, None]
        done = jnp.linalg.norm(new_centroids - centroids) < tol
        centroids = jnp.where(done, centroids, new_centroids)
        return centroids, assignments, i + 1, done

    init_state = (centroids, assignments, jnp.int32(0), jnp.bool_(False))
    _centroids, assignments, _i, _done = jax.lax.while_loop(cond_fn, body_fn, init_state)
    return assignments


def _edge_conv(x, edge_index, W1, b1, W2, b2):
    src = edge_index[0]
    dst = edge_index[1]
    x_i = x[dst]
    x_j = x[src]
    h = jnp.concatenate([x_i, x_j - x_i], axis=1)
    h = jnp.maximum(h @ W1 + b1, 0.0)
    h = h @ W2 + b2
    out = jax.ops.segment_max(h, dst, num_segments=x.shape[0])
    return jnp.where(jnp.isfinite(out), out, 0.0)


def _multi_kernel_conv(x, edge_index, edge_attr, assignments, conv_w, alpha):
    src = edge_index[0]
    dst = edge_index[1]
    E = edge_attr.shape[0]
    combined = jnp.zeros((E, OUT_CH), dtype=edge_attr.dtype)
    for k in range(NUM_KERNELS):
        node_mask = assignments == k
        edge_mask = node_mask[src] & node_mask[dst]
        masked = edge_attr * edge_mask[:, None].astype(edge_attr.dtype)
        full = None
        for i in range(NUM_POWERS):
            p = masked @ conv_w[i]
            if i == 0:
                full = p @ alpha[k, i].T
            else:
                p = jnp.where(p >= 0, p, 0.1 * p)
                full = full + jnp.power(p, i) @ alpha[k, i].T
        combined = jnp.where(edge_mask[:, None], full, combined)
    deg = jax.ops.segment_sum(jnp.ones((E,), edge_attr.dtype), src, num_segments=x.shape[0])
    normalized = combined / deg[src][:, None]
    out = jax.ops.segment_sum(normalized, dst, num_segments=x.shape[0])
    return out, normalized


def setup_inputs(seed: int = 0):
    key = jax.random.key(seed)
    ks = jax.random.split(key, 20)
    x = jax.random.normal(ks[0], (N_NODES, IN_CH), dtype=jnp.float32)
    edge_index = jax.random.randint(ks[1], (2, N_EDGES), 0, N_NODES, dtype=jnp.int32)
    edge_attr = jax.random.normal(ks[2], (N_EDGES, IN_CH), dtype=jnp.float32)
    batch = jnp.sort(jax.random.randint(ks[3], (N_NODES,), 0, NUM_GRAPHS, dtype=jnp.int32))
    s = 1.0 / np.sqrt(IN_CH * 2)
    W_similar = jax.random.uniform(ks[4], (IN_CH * 2, OUT_CH), jnp.float32, -s, s)
    b_similar = jax.random.uniform(ks[5], (OUT_CH,), jnp.float32, -s, s)
    s1 = 1.0 / np.sqrt(OUT_CH * 2)
    W_ec1 = jax.random.uniform(ks[6], (OUT_CH * 2, HID), jnp.float32, -s1, s1)
    b_ec1 = jax.random.uniform(ks[7], (HID,), jnp.float32, -s1, s1)
    s2 = 1.0 / np.sqrt(HID)
    W_ec2 = jax.random.uniform(ks[8], (HID, HID), jnp.float32, -s2, s2)
    b_ec2 = jax.random.uniform(ks[9], (HID,), jnp.float32, -s2, s2)
    sc = 1.0 / np.sqrt(IN_CH)
    conv_w = jax.random.uniform(ks[10], (NUM_POWERS, IN_CH, OUT_CH), jnp.float32, -sc, sc)
    alpha = jax.random.normal(ks[11], (NUM_KERNELS, NUM_POWERS, OUT_CH, OUT_CH), dtype=jnp.float32)
    W_fc = jax.random.uniform(ks[12], (1, 1), jnp.float32, -1.0, 1.0)
    b_fc = jax.random.uniform(ks[13], (1,), jnp.float32, -1.0, 1.0)
    return {"x": x, "edge_index": edge_index, "edge_attr": edge_attr, "batch": batch,
            "W_similar": W_similar, "b_similar": b_similar, "W_ec1": W_ec1, "b_ec1": b_ec1,
            "W_ec2": W_ec2, "b_ec2": b_ec2, "conv_w": conv_w, "alpha": alpha,
            "W_fc": W_fc, "b_fc": b_fc}


def reference(x, edge_index, edge_attr, batch, W_similar, b_similar, W_ec1, b_ec1, W_ec2, b_ec2, conv_w, alpha, W_fc, b_fc):
    pos = x
    x_sim = jnp.concatenate([x, pos], axis=1) @ W_similar + b_similar
    x_sim = jnp.maximum(x_sim, 0.0)
    x_sim = _edge_conv(x_sim, edge_index, W_ec1, b_ec1, W_ec2, b_ec2)
    x_sim = jnp.maximum(x_sim, 0.0)
    assignments = kmeans_jax(x_sim, NUM_KERNELS, jax.random.key(42))
    out, _alpha1 = _multi_kernel_conv(x, edge_index, edge_attr, assignments, conv_w, alpha)
    h = jnp.maximum(out, 0.0)
    sums = jax.ops.segment_sum(h, batch, num_segments=NUM_GRAPHS)
    counts = jax.ops.segment_sum(jnp.ones((x.shape[0],), h.dtype), batch, num_segments=NUM_GRAPHS)
    pooled = sums / jnp.maximum(counts, 1.0)[:, None]
    return pooled @ W_fc + b_fc

if __name__ == "__main__":
    import jax
    _d = setup_inputs()
    print(jax.jit(kernel)(*tuple(_d.values())))

</pallas_src>

<mosaic_0001>
#map = affine_map<(d0, d1) -> (0, 0, 0)>
#map1 = affine_map<(d0, d1) -> (0)>
#map2 = affine_map<(d0, d1) -> (0, 0)>
module attributes {stable_mosaic.version = 14 : i64} {
  func.func @_sc_edge_combine_body(%arg0: i32, %arg1: i32, %arg2: memref<4x32x10000xf32, #tpu.memory_space<hbm>>, %arg3: memref<10000xi32, #tpu.memory_space<hbm>>, %arg4: memref<10000xf32, #tpu.memory_space<hbm>>, %arg5: memref<320000xi32, #tpu.memory_space<hbm>>, %arg6: memref<320000xi32, #tpu.memory_space<hbm>>, %arg7: memref<10000xf32, #tpu.memory_space<hbm>>, %arg8: memref<2x10000xf32, #tpu.memory_space<hbm>>, %arg9: memref<10000xi32, #tpu.memory_space<vmem>>, %arg10: memref<10000xi32, #tpu.memory_space<vmem>>, %arg11: memref<10000xf32, #tpu.memory_space<vmem>>, %arg12: memref<10000xf32, #tpu.memory_space<vmem>>, %arg13: memref<10000xf32, #tpu.memory_space<vmem>>, %arg14: memref<10000xf32, #tpu.memory_space<vmem>>, %arg15: memref<10000xi32, #tpu.memory_space<vmem>>, %arg16: memref<10000xi32, #tpu.memory_space<vmem>>, %arg17: memref<10000xf32, #tpu.memory_space<vmem>>, %arg18: memref<10000xf32, #tpu.memory_space<vmem>>, %arg19: memref<10000xf32, #tpu.memory_space<vmem_shared>>, %arg20: memref<10000xi32, #tpu.memory_space<vmem_shared>>, %arg21: memref<10000xf32, #tpu.memory_space<vmem_shared>>, %arg22: memref<!tpu.dma_semaphore, #tpu.memory_space<semaphore_mem>>) attributes {dimension_semantics = [#tpu.dimension_semantics<core_parallel>, #tpu.dimension_semantics<subcore_parallel>], iteration_bounds = array<i64: 2, 16>, scalar_prefetch = 0 : i64, scratch_operands = 14 : i64, tpu.core_type = #tpu.core_type<sc_vector_subcore>, window_params = [{transform_indices = #map}, {transform_indices = #map1}, {transform_indices = #map1}, {transform_indices = #map1}, {transform_indices = #map1}, {transform_indices = #map1}, {transform_indices = #map2}]} {
    %mul3A = arith.constant 2 : i32
    %mul3A_0 = arith.muli %arg1, %mul3A : i32
    %add3A = arith.addi %mul3A_0, %arg0 : i32
    %mul3A_1 = arith.constant 10000 : i32
    %mul3A_2 = arith.muli %add3A, %mul3A_1 : i32
    "tpu.region"() ({
      %run_scoped3A_31 = tpu.sem_alloc : memref<!tpu.dma_semaphore, #tpu.memory_space<semaphore_mem>>
      %dma_start3A_32 = tpu.memref_slice %arg5[%mul3A_2] : memref<320000xi32, #tpu.memory_space<hbm>> -> memref<10000xi32, #tpu.memory_space<hbm>>
      %dma_start3A_33 = tpu.memref_slice %arg5[%mul3A_2] : memref<320000xi32, #tpu.memory_space<hbm>> -> memref<10000xi32, #tpu.memory_space<hbm>>
      tpu.enqueue_dma source(%dma_start3A_33 : memref<10000xi32, #tpu.memory_space<hbm>>) target(%arg9 : memref<10000xi32, #tpu.memory_space<vmem>>) target_semaphore(%run_scoped3A_31 : memref<!tpu.dma_semaphore, #tpu.memory_space<semaphore_mem>>)
      %dma_wait3A_34 = tpu.memref_slice %arg5[%mul3A_2] : memref<320000xi32, #tpu.memory_space<hbm>> -> memref<10000xi32, #tpu.memory_space<hbm>>
      %dma_wait3A_35 = tpu.memref_slice %arg5[%mul3A_2] : memref<320000xi32, #tpu.memory_space<hbm>> -> memref<10000xi32, #tpu.memory_space<hbm>>
      tpu.wait_dma2 semaphore(%run_scoped3A_31 : memref<!tpu.dma_semaphore, #tpu.memory_space<semaphore_mem>>) src(%dma_wait3A_35 : memref<10000xi32, #tpu.memory_space<hbm>>) dst(%arg9 : memref<10000xi32, #tpu.memory_space<vmem>>)
      tpu.yield
    }) : () -> ()
    "tpu.region"() ({
      %run_scoped3A_31 = tpu.sem_alloc : memref<!tpu.dma_semaphore, #tpu.memory_space<semaphore_mem>>
      %dma_start3A_32 = tpu.memref_slice %arg6[%mul3A_2] : memref<320000xi32, #tpu.memory_space<hbm>> -> memref<10000xi32, #tpu.memory_space<hbm>>
      %dma_start3A_33 = tpu.memref_slice %arg6[%mul3A_2] : memref<320000xi32, #tpu.memory_space<hbm>> -> memref<10000xi32, #tpu.memory_space<hbm>>
      tpu.enqueue_dma source(%dma_start3A_33 : memref<10000xi32, #tpu.memory_space<hbm>>) target(%arg10 : memref<10000xi32, #tpu.memory_space<vmem>>) target_semaphore(%run_scoped3A_31 : memref<!tpu.dma_semaphore, #tpu.memory_space<semaphore_mem>>)
      %dma_wait3A_34 = tpu.memref_slice %arg6[%mul3A_2] : memref<320000xi32, #tpu.memory_space<hbm>> -> memref<10000xi32, #tpu.memory_space<hbm>>
      %dma_wait3A_35 = tpu.memref_slice %arg6[%mul3A_2] : memref<320000xi32, #tpu.memory_space<hbm>> -> memref<10000xi32, #tpu.memory_space<hbm>>
      tpu.wait_dma2 semaphore(%run_scoped3A_31 : memref<!tpu.dma_semaphore, #tpu.memory_space<semaphore_mem>>) src(%dma_wait3A_35 : memref<10000xi32, #tpu.memory_space<hbm>>) dst(%arg10 : memref<10000xi32, #tpu.memory_space<vmem>>)
      tpu.yield
    }) : () -> ()
    %run_scoped3A = arith.constant 0 : i32
    "tpu.region"() ({
      %run_scoped3A_31 = tpu.sem_alloc : memref<!tpu.dma_semaphore, #tpu.memory_space<semaphore_mem>>
      %dma_start3A_32 = arith.constant 0 : i32
      %dma_start3A_33 = arith.constant 0 : i32
      %dma_start3A_34 = tpu.memref_slice %arg2[%run_scoped3A, %dma_start3A_32, %dma_start3A_33] : memref<4x32x10000xf32, #tpu.memory_space<hbm>> -> memref<1x32x10000xf32, #tpu.memory_space<hbm>>
      %dma_start3A_35 = tpu.memref_squeeze %dma_start3A_34 : memref<1x32x10000xf32, #tpu.memory_space<hbm>> -> memref<32x10000xf32, #tpu.memory_space<hbm>>
      %dma_start3A_36 = arith.constant 0 : i32
      %dma_start3A_37 = tpu.memref_slice %dma_start3A_35[%add3A, %dma_start3A_36] : memref<32x10000xf32, #tpu.memory_space<hbm>> -> memref<1x10000xf32, #tpu.memory_space<hbm>>
      %dma_start3A_38 = tpu.memref_squeeze %dma_start3A_37 : memref<1x10000xf32, #tpu.memory_space<hbm>> -> memref<10000xf32, #tpu.memory_space<hbm>>
      %dma_start3A_39 = arith.constant 0 : i32
      %dma_start3A_40 = arith.constant 0 : i32
      %dma_start3A_41 = tpu.memref_slice %arg2[%run_scoped3A, %dma_start3A_39, %dma_start3A_40] : memref<4x32x10000xf32, #tpu.memory_space<hbm>> -> memref<1x32x10000xf32, #tpu.memory_space<hbm>>
      %dma_start3A_42 = tpu.memref_squeeze %dma_start3A_41 : memref<1x32x10000xf32, #tpu.memory_space<hbm>> -> memref<32x10000xf32, #tpu.memory_space<hbm>>
      %dma_start3A_43 = arith.constant 0 : i32
      %dma_start3A_44 = tpu.memref_slice %dma_start3A_42[%add3A, %dma_start3A_43] : memref<32x10000xf32, #tpu.memory_space<hbm>> -> memref<1x10000xf32, #tpu.memory_space<hbm>>
      %dma_start3A_45 = tpu.memref_squeeze %dma_start3A_44 : memref<1x10000xf32, #tpu.memory_space<hbm>> -> memref<10000xf32, #tpu.memory_space<hbm>>
      tpu.enqueue_dma source(%dma_start3A_45 : memref<10000xf32, #tpu.memory_space<hbm>>) target(%arg11 : memref<10000xf32, #tpu.memory_space<vmem>>) target_semaphore(%run_scoped3A_31 : memref<!tpu.dma_semaphore, #tpu.memory_space<semaphore_mem>>)
      %dma_wait3A_46 = arith.constant 0 : i32
      %dma_wait3A_47 = arith.constant 0 : i32
      %dma_wait3A_48 = tpu.memref_slice %arg2[%run_scoped3A, %dma_wait3A_46, %dma_wait3A_47] : memref<4x32x10000xf32, #tpu.memory_space<hbm>> -> memref<1x32x10000xf32, #tpu.memory_space<hbm>>
      %dma_wait3A_49 = tpu.memref_squeeze %dma_wait3A_48 : memref<1x32x10000xf32, #tpu.memory_space<hbm>> -> memref<32x10000xf32, #tpu.memory_space<hbm>>
      %dma_wait3A_50 = arith.constant 0 : i32
      %dma_wait3A_51 = tpu.memref_slice %dma_wait3A_49[%add3A, %dma_wait3A_50] : memref<32x10000xf32, #tpu.memory_space<hbm>> -> memref<1x10000xf32, #tpu.memory_space<hbm>>
      %dma_wait3A_52 = tpu.memref_squeeze %dma_wait3A_51 : memref<1x10000xf32, #tpu.memory_space<hbm>> -> memref<10000xf32, #tpu.memory_space<hbm>>
      %dma_wait3A_53 = arith.constant 0 : i32
      %dma_wait3A_54 = arith.constant 0 : i32
      %dma_wait3A_55 = tpu.memref_slice %arg2[%run_scoped3A, %dma_wait3A_53, %dma_wait3A_54] : memref<4x32x10000xf32, #tpu.memory_space<hbm>> -> memref<1x32x10000xf32, #tpu.memory_space<hbm>>
      %dma_wait3A_56 = tpu.memref_squeeze %dma_wait3A_55 : memref<1x32x10000xf32, #tpu.memory_space<hbm>> -> memref<32x10000xf32, #tpu.memory_space<hbm>>
      %dma_wait3A_57 = arith.constant 0 : i32
      %dma_wait3A_58 = tpu.memref_slice %dma_wait3A_56[%add3A, %dma_wait3A_57] : memref<32x10000xf32, #tpu.memory_space<hbm>> -> memref<1x10000xf32, #tpu.memory_space<hbm>>
      %dma_wait3A_59 = tpu.memref_squeeze %dma_wait3A_58 : memref<1x10000xf32, #tpu.memory_space<hbm>> -> memref<10000xf32, #tpu.memory_space<hbm>>
      tpu.wait_dma2 semaphore(%run_scoped3A_31 : memref<!tpu.dma_semaphore, #tpu.memory_space<semaphore_mem>>) src(%dma_wait3A_59 : memref<10000xf32, #tpu.memory_space<hbm>>) dst(%arg11 : memref<10000xf32, #tpu.memory_space<vmem>>)
      tpu.yield
    }) : () -> ()
    %run_scoped3A_3 = arith.constant 1 : i32
    "tpu.region"() ({
      %run_scoped3A_31 = tpu.sem_alloc : memref<!tpu.dma_semaphore, #tpu.memory_space<semaphore_mem>>
      %dma_start3A_32 = arith.constant 0 : i32
      %dma_start3A_33 = arith.constant 0 : i32
      %dma_start3A_34 = tpu.memref_slice %arg2[%run_scoped3A_3, %dma_start3A_32, %dma_start3A_33] : memref<4x32x10000xf32, #tpu.memory_space<hbm>> -> memref<1x32x10000xf32, #tpu.memory_space<hbm>>
      %dma_start3A_35 = tpu.memref_squeeze %dma_start3A_34 : memref<1x32x10000xf32, #tpu.memory_space<hbm>> -> memref<32x10000xf32, #tpu.memory_space<hbm>>
      %dma_start3A_36 = arith.constant 0 : i32
      %dma_start3A_37 = tpu.memref_slice %dma_start3A_35[%add3A, %dma_start3A_36] : memref<32x10000xf32, #tpu.memory_space<hbm>> -> memref<1x10000xf32, #tpu.memory_space<hbm>>
      %dma_start3A_38 = tpu.memref_squeeze %dma_start3A_37 : memref<1x10000xf32, #tpu.memory_space<hbm>> -> memref<10000xf32, #tpu.memory_space<hbm>>
      %dma_start3A_39 = arith.constant 0 : i32
      %dma_start3A_40 = arith.constant 0 : i32
      %dma_start3A_41 = tpu.memref_slice %arg2[%run_scoped3A_3, %dma_start3A_39, %dma_start3A_40] : memref<4x32x10000xf32, #tpu.memory_space<hbm>> -> memref<1x32x10000xf32, #tpu.memory_space<hbm>>
      %dma_start3A_42 = tpu.memref_squeeze %dma_start3A_41 : memref<1x32x10000xf32, #tpu.memory_space<hbm>> -> memref<32x10000xf32, #tpu.memory_space<hbm>>
      %dma_start3A_43 = arith.constant 0 : i32
      %dma_start3A_44 = tpu.memref_slice %dma_start3A_42[%add3A, %dma_start3A_43] : memref<32x10000xf32, #tpu.memory_space<hbm>> -> memref<1x10000xf32, #tpu.memory_space<hbm>>
      %dma_start3A_45 = tpu.memref_squeeze %dma_start3A_44 : memref<1x10000xf32, #tpu.memory_space<hbm>> -> memref<10000xf32, #tpu.memory_space<hbm>>
      tpu.enqueue_dma source(%dma_start3A_45 : memref<10000xf32, #tpu.memory_space<hbm>>) target(%arg12 : memref<10000xf32, #tpu.memory_space<vmem>>) target_semaphore(%run_scoped3A_31 : memref<!tpu.dma_semaphore, #tpu.memory_space<semaphore_mem>>)
      %dma_wait3A_46 = arith.constant 0 : i32
      %dma_wait3A_47 = arith.constant 0 : i32
      %dma_wait3A_48 = tpu.memref_slice %arg2[%run_scoped3A_3, %dma_wait3A_46, %dma_wait3A_47] : memref<4x32x10000xf32, #tpu.memory_space<hbm>> -> memref<1x32x10000xf32, #tpu.memory_space<hbm>>
      %dma_wait3A_49 = tpu.memref_squeeze %dma_wait3A_48 : memref<1x32x10000xf32, #tpu.memory_space<hbm>> -> memref<32x10000xf32, #tpu.memory_space<hbm>>
      %dma_wait3A_50 = arith.constant 0 : i32
      %dma_wait3A_51 = tpu.memref_slice %dma_wait3A_49[%add3A, %dma_wait3A_50] : memref<32x10000xf32, #tpu.memory_space<hbm>> -> memref<1x10000xf32, #tpu.memory_space<hbm>>
      %dma_wait3A_52 = tpu.memref_squeeze %dma_wait3A_51 : memref<1x10000xf32, #tpu.memory_space<hbm>> -> memref<10000xf32, #tpu.memory_space<hbm>>
      %dma_wait3A_53 = arith.constant 0 : i32
      %dma_wait3A_54 = arith.constant 0 : i32
      %dma_wait3A_55 = tpu.memref_slice %arg2[%run_scoped3A_3, %dma_wait3A_53, %dma_wait3A_54] : memref<4x32x10000xf32, #tpu.memory_space<hbm>> -> memref<1x32x10000xf32, #tpu.memory_space<hbm>>
      %dma_wait3A_56 = tpu.memref_squeeze %dma_wait3A_55 : memref<1x32x10000xf32, #tpu.memory_space<hbm>> -> memref<32x10000xf32, #tpu.memory_space<hbm>>
      %dma_wait3A_57 = arith.constant 0 : i32
      %dma_wait3A_58 = tpu.memref_slice %dma_wait3A_56[%add3A, %dma_wait3A_57] : memref<32x10000xf32, #tpu.memory_space<hbm>> -> memref<1x10000xf32, #tpu.memory_space<hbm>>
      %dma_wait3A_59 = tpu.memref_squeeze %dma_wait3A_58 : memref<1x10000xf32, #tpu.memory_space<hbm>> -> memref<10000xf32, #tpu.memory_space<hbm>>
      tpu.wait_dma2 semaphore(%run_scoped3A_31 : memref<!tpu.dma_semaphore, #tpu.memory_space<semaphore_mem>>) src(%dma_wait3A_59 : memref<10000xf32, #tpu.memory_space<hbm>>) dst(%arg12 : memref<10000xf32, #tpu.memory_space<vmem>>)
      tpu.yield
    }) : () -> ()
    %run_scoped3A_4 = arith.constant 2 : i32
    "tpu.region"() ({
      %run_scoped3A_31 = tpu.sem_alloc : memref<!tpu.dma_semaphore, #tpu.memory_space<semaphore_mem>>
      %dma_start3A_32 = arith.constant 0 : i32
      %dma_start3A_33 = arith.constant 0 : i32
      %dma_start3A_34 = tpu.memref_slice %arg2[%run_scoped3A_4, %dma_start3A_32, %dma_start3A_33] : memref<4x32x10000xf32, #tpu.memory_space<hbm>> -> memref<1x32x10000xf32, #tpu.memory_space<hbm>>
      %dma_start3A_35 = tpu.memref_squeeze %dma_start3A_34 : memref<1x32x10000xf32, #tpu.memory_space<hbm>> -> memref<32x10000xf32, #tpu.memory_space<hbm>>
      %dma_start3A_36 = arith.constant 0 : i32
      %dma_start3A_37 = tpu.memref_slice %dma_start3A_35[%add3A, %dma_start3A_36] : memref<32x10000xf32, #tpu.memory_space<hbm>> -> memref<1x10000xf32, #tpu.memory_space<hbm>>
      %dma_start3A_38 = tpu.memref_squeeze %dma_start3A_37 : memref<1x10000xf32, #tpu.memory_space<hbm>> -> memref<10000xf32, #tpu.memory_space<hbm>>
      %dma_start3A_39 = arith.constant 0 : i32
      %dma_start3A_40 = arith.constant 0 : i32
      %dma_start3A_41 = tpu.memref_slice %arg2[%run_scoped3A_4, %dma_start3A_39, %dma_start3A_40] : memref<4x32x10000xf32, #tpu.memory_space<hbm>> -> memref<1x32x10000xf32, #tpu.memory_space<hbm>>
      %dma_start3A_42 = tpu.memref_squeeze %dma_start3A_41 : memref<1x32x10000xf32, #tpu.memory_space<hbm>> -> memref<32x10000xf32, #tpu.memory_space<hbm>>
      %dma_start3A_43 = arith.constant 0 : i32
      %dma_start3A_44 = tpu.memref_slice %dma_start3A_42[%add3A, %dma_start3A_43] : memref<32x10000xf32, #tpu.memory_space<hbm>> -> memref<1x10000xf32, #tpu.memory_space<hbm>>
      %dma_start3A_45 = tpu.memref_squeeze %dma_start3A_44 : memref<1x10000xf32, #tpu.memory_space<hbm>> -> memref<10000xf32, #tpu.memory_space<hbm>>
      tpu.enqueue_dma source(%dma_start3A_45 : memref<10000xf32, #tpu.memory_space<hbm>>) target(%arg13 : memref<10000xf32, #tpu.memory_space<vmem>>) target_semaphore(%run_scoped3A_31 : memref<!tpu.dma_semaphore, #tpu.memory_space<semaphore_mem>>)
      %dma_wait3A_46 = arith.constant 0 : i32
      %dma_wait3A_47 = arith.constant 0 : i32
      %dma_wait3A_48 = tpu.memref_slice %arg2[%run_scoped3A_4, %dma_wait3A_46, %dma_wait3A_47] : memref<4x32x10000xf32, #tpu.memory_space<hbm>> -> memref<1x32x10000xf32, #tpu.memory_space<hbm>>
      %dma_wait3A_49 = tpu.memref_squeeze %dma_wait3A_48 : memref<1x32x10000xf32, #tpu.memory_space<hbm>> -> memref<32x10000xf32, #tpu.memory_space<hbm>>
      %dma_wait3A_50 = arith.constant 0 : i32
      %dma_wait3A_51 = tpu.memref_slice %dma_wait3A_49[%add3A, %dma_wait3A_50] : memref<32x10000xf32, #tpu.memory_space<hbm>> -> memref<1x10000xf32, #tpu.memory_space<hbm>>
      %dma_wait3A_52 = tpu.memref_squeeze %dma_wait3A_51 : memref<1x10000xf32, #tpu.memory_space<hbm>> -> memref<10000xf32, #tpu.memory_space<hbm>>
      %dma_wait3A_53 = arith.constant 0 : i32
      %dma_wait3A_54 = arith.constant 0 : i32
      %dma_wait3A_55 = tpu.memref_slice %arg2[%run_scoped3A_4, %dma_wait3A_53, %dma_wait3A_54] : memref<4x32x10000xf32, #tpu.memory_space<hbm>> -> memref<1x32x10000xf32, #tpu.memory_space<hbm>>
      %dma_wait3A_56 = tpu.memref_squeeze %dma_wait3A_55 : memref<1x32x10000xf32, #tpu.memory_space<hbm>> -> memref<32x10000xf32, #tpu.memory_space<hbm>>
      %dma_wait3A_57 = arith.constant 0 : i32
      %dma_wait3A_58 = tpu.memref_slice %dma_wait3A_56[%add3A, %dma_wait3A_57] : memref<32x10000xf32, #tpu.memory_space<hbm>> -> memref<1x10000xf32, #tpu.memory_space<hbm>>
      %dma_wait3A_59 = tpu.memref_squeeze %dma_wait3A_58 : memref<1x10000xf32, #tpu.memory_space<hbm>> -> memref<10000xf32, #tpu.memory_space<hbm>>
      tpu.wait_dma2 semaphore(%run_scoped3A_31 : memref<!tpu.dma_semaphore, #tpu.memory_space<semaphore_mem>>) src(%dma_wait3A_59 : memref<10000xf32, #tpu.memory_space<hbm>>) dst(%arg13 : memref<10000xf32, #tpu.memory_space<vmem>>)
      tpu.yield
    }) : () -> ()
    %run_scoped3A_5 = arith.constant 3 : i32
    "tpu.region"() ({
      %run_scoped3A_31 = tpu.sem_alloc : memref<!tpu.dma_semaphore, #tpu.memory_space<semaphore_mem>>
      %dma_start3A_32 = arith.constant 0 : i32
      %dma_start3A_33 = arith.constant 0 : i32
      %dma_start3A_34 = tpu.memref_slice %arg2[%run_scoped3A_5, %dma_start3A_32, %dma_start3A_33] : memref<4x32x10000xf32, #tpu.memory_space<hbm>> -> memref<1x32x10000xf32, #tpu.memory_space<hbm>>
      %dma_start3A_35 = tpu.memref_squeeze %dma_start3A_34 : memref<1x32x10000xf32, #tpu.memory_space<hbm>> -> memref<32x10000xf32, #tpu.memory_space<hbm>>
      %dma_start3A_36 = arith.constant 0 : i32
      %dma_start3A_37 = tpu.memref_slice %dma_start3A_35[%add3A, %dma_start3A_36] : memref<32x10000xf32, #tpu.memory_space<hbm>> -> memref<1x10000xf32, #tpu.memory_space<hbm>>
      %dma_start3A_38 = tpu.memref_squeeze %dma_start3A_37 : memref<1x10000xf32, #tpu.memory_space<hbm>> -> memref<10000xf32, #tpu.memory_space<hbm>>
      %dma_start3A_39 = arith.constant 0 : i32
      %dma_start3A_40 = arith.constant 0 : i32
      %dma_start3A_41 = tpu.memref_slice %arg2[%run_scoped3A_5, %dma_start3A_39, %dma_start3A_40] : memref<4x32x10000xf32, #tpu.memory_space<hbm>> -> memref<1x32x10000xf32, #tpu.memory_space<hbm>>
      %dma_start3A_42 = tpu.memref_squeeze %dma_start3A_41 : memref<1x32x10000xf32, #tpu.memory_space<hbm>> -> memref<32x10000xf32, #tpu.memory_space<hbm>>
      %dma_start3A_43 = arith.constant 0 : i32
      %dma_start3A_44 = tpu.memref_slice %dma_start3A_42[%add3A, %dma_start3A_43] : memref<32x10000xf32, #tpu.memory_space<hbm>> -> memref<1x10000xf32, #tpu.memory_space<hbm>>
      %dma_start3A_45 = tpu.memref_squeeze %dma_start3A_44 : memref<1x10000xf32, #tpu.memory_space<hbm>> -> memref<10000xf32, #tpu.memory_space<hbm>>
      tpu.enqueue_dma source(%dma_start3A_45 : memref<10000xf32, #tpu.memory_space<hbm>>) target(%arg14 : memref<10000xf32, #tpu.memory_space<vmem>>) target_semaphore(%run_scoped3A_31 : memref<!tpu.dma_semaphore, #tpu.memory_space<semaphore_mem>>)
      %dma_wait3A_46 = arith.constant 0 : i32
      %dma_wait3A_47 = arith.constant 0 : i32
      %dma_wait3A_48 = tpu.memref_slice %arg2[%run_scoped3A_5, %dma_wait3A_46, %dma_wait3A_47] : memref<4x32x10000xf32, #tpu.memory_space<hbm>> -> memref<1x32x10000xf32, #tpu.memory_space<hbm>>
      %dma_wait3A_49 = tpu.memref_squeeze %dma_wait3A_48 : memref<1x32x10000xf32, #tpu.memory_space<hbm>> -> memref<32x10000xf32, #tpu.memory_space<hbm>>
      %dma_wait3A_50 = arith.constant 0 : i32
      %dma_wait3A_51 = tpu.memref_slice %dma_wait3A_49[%add3A, %dma_wait3A_50] : memref<32x10000xf32, #tpu.memory_space<hbm>> -> memref<1x10000xf32, #tpu.memory_space<hbm>>
      %dma_wait3A_52 = tpu.memref_squeeze %dma_wait3A_51 : memref<1x10000xf32, #tpu.memory_space<hbm>> -> memref<10000xf32, #tpu.memory_space<hbm>>
      %dma_wait3A_53 = arith.constant 0 : i32
      %dma_wait3A_54 = arith.constant 0 : i32
      %dma_wait3A_55 = tpu.memref_slice %arg2[%run_scoped3A_5, %dma_wait3A_53, %dma_wait3A_54] : memref<4x32x10000xf32, #tpu.memory_space<hbm>> -> memref<1x32x10000xf32, #tpu.memory_space<hbm>>
      %dma_wait3A_56 = tpu.memref_squeeze %dma_wait3A_55 : memref<1x32x10000xf32, #tpu.memory_space<hbm>> -> memref<32x10000xf32, #tpu.memory_space<hbm>>
      %dma_wait3A_57 = arith.constant 0 : i32
      %dma_wait3A_58 = tpu.memref_slice %dma_wait3A_56[%add3A, %dma_wait3A_57] : memref<32x10000xf32, #tpu.memory_space<hbm>> -> memref<1x10000xf32, #tpu.memory_space<hbm>>
      %dma_wait3A_59 = tpu.memref_squeeze %dma_wait3A_58 : memref<1x10000xf32, #tpu.memory_space<hbm>> -> memref<10000xf32, #tpu.memory_space<hbm>>
      tpu.wait_dma2 semaphore(%run_scoped3A_31 : memref<!tpu.dma_semaphore, #tpu.memory_space<semaphore_mem>>) src(%dma_wait3A_59 : memref<10000xf32, #tpu.memory_space<hbm>>) dst(%arg14 : memref<10000xf32, #tpu.memory_space<vmem>>)
      tpu.yield
    }) : () -> ()
    %eq3A = arith.constant 0 : i32
    %eq3A_6 = arith.cmpi eq, %arg1, %eq3A : i32
    %convert_element_type3A = arith.extui %eq3A_6 : i1 to i32
    %cond3A = arith.constant 0 : i32
    %cond3A_7 = arith.cmpi ne, %convert_element_type3A, %cond3A : i32
    scf.if %cond3A_7 {
      "tpu.region"() ({
        %run_scoped3A_31 = tpu.sem_alloc : memref<!tpu.dma_semaphore, #tpu.memory_space<semaphore_mem>>
        tpu.enqueue_dma source(%arg7 : memref<10000xf32, #tpu.memory_space<hbm>>) target(%arg19 : memref<10000xf32, #tpu.memory_space<vmem_shared>>) target_semaphore(%run_scoped3A_31 : memref<!tpu.dma_semaphore, #tpu.memory_space<semaphore_mem>>)
        tpu.wait_dma2 semaphore(%run_scoped3A_31 : memref<!tpu.dma_semaphore, #tpu.memory_space<semaphore_mem>>) src(%arg7 : memref<10000xf32, #tpu.memory_space<hbm>>) dst(%arg19 : memref<10000xf32, #tpu.memory_space<vmem_shared>>)
        tpu.yield
      }) : () -> ()
      "tpu.region"() ({
        %run_scoped3A_31 = tpu.sem_alloc : memref<!tpu.dma_semaphore, #tpu.memory_space<semaphore_mem>>
        tpu.enqueue_dma source(%arg3 : memref<10000xi32, #tpu.memory_space<hbm>>) target(%arg20 : memref<10000xi32, #tpu.memory_space<vmem_shared>>) target_semaphore(%run_scoped3A_31 : memref<!tpu.dma_semaphore, #tpu.memory_space<semaphore_mem>>)
        tpu.wait_dma2 semaphore(%run_scoped3A_31 : memref<!tpu.dma_semaphore, #tpu.memory_space<semaphore_mem>>) src(%arg3 : memref<10000xi32, #tpu.memory_space<hbm>>) dst(%arg20 : memref<10000xi32, #tpu.memory_space<vmem_shared>>)
        tpu.yield
      }) : () -> ()
      "tpu.region"() ({
        %run_scoped3A_31 = tpu.sem_alloc : memref<!tpu.dma_semaphore, #tpu.memory_space<semaphore_mem>>
        tpu.enqueue_dma source(%arg4 : memref<10000xf32, #tpu.memory_space<hbm>>) target(%arg21 : memref<10000xf32, #tpu.memory_space<vmem_shared>>) target_semaphore(%run_scoped3A_31 : memref<!tpu.dma_semaphore, #tpu.memory_space<semaphore_mem>>)
        tpu.wait_dma2 semaphore(%run_scoped3A_31 : memref<!tpu.dma_semaphore, #tpu.memory_space<semaphore_mem>>) src(%arg4 : memref<10000xf32, #tpu.memory_space<hbm>>) dst(%arg21 : memref<10000xf32, #tpu.memory_space<vmem_shared>>)
        tpu.yield
      }) : () -> ()
    } else {
    }
    %barrier3A = arith.constant 0 : index
    tpu.barrier barrier_id(%barrier3A)
    %dma_start3A = arith.constant 0 : i32
    %dma_start3A_8 = tpu.memref_slice %arg20[%dma_start3A] : memref<10000xi32, #tpu.memory_space<vmem_shared>> -> memref<10000xi32, #tpu.memory_space<vmem_shared>>
    tpu.enqueue_indirect_dma source(%dma_start3A_8 : memref<10000xi32, #tpu.memory_space<vmem_shared>>) target(%arg15 : memref<10000xi32, #tpu.memory_space<vmem>>) offsets(%arg9 : memref<10000xi32, #tpu.memory_space<vmem>>) semaphore(%arg22 : memref<!tpu.dma_semaphore, #tpu.memory_space<semaphore_mem>>)
    %dma_wait3A = arith.constant 0 : i32
    %dma_wait3A_9 = tpu.memref_slice %arg20[%dma_wait3A] : memref<10000xi32, #tpu.memory_space<vmem_shared>> -> memref<10000xi32, #tpu.memory_space<vmem_shared>>
    tpu.wait_indirect_dma semaphore(%arg22 : memref<!tpu.dma_semaphore, #tpu.memory_space<semaphore_mem>>) src(%dma_wait3A_9 : memref<10000xi32, #tpu.memory_space<vmem_shared>>) dst(%arg15 : memref<10000xi32, #tpu.memory_space<vmem>>)
    %dma_start3A_10 = arith.constant 0 : i32
    %dma_start3A_11 = tpu.memref_slice %arg20[%dma_start3A_10] : memref<10000xi32, #tpu.memory_space<vmem_shared>> -> memref<10000xi32, #tpu.memory_space<vmem_shared>>
    tpu.enqueue_indirect_dma source(%dma_start3A_11 : memref<10000xi32, #tpu.memory_space<vmem_shared>>) target(%arg16 : memref<10000xi32, #tpu.memory_space<vmem>>) offsets(%arg10 : memref<10000xi32, #tpu.memory_space<vmem>>) semaphore(%arg22 : memref<!tpu.dma_semaphore, #tpu.memory_space<semaphore_mem>>)
    %dma_wait3A_12 = arith.constant 0 : i32
    %dma_wait3A_13 = tpu.memref_slice %arg20[%dma_wait3A_12] : memref<10000xi32, #tpu.memory_space<vmem_shared>> -> memref<10000xi32, #tpu.memory_space<vmem_shared>>
    tpu.wait_indirect_dma semaphore(%arg22 : memref<!tpu.dma_semaphore, #tpu.memory_space<semaphore_mem>>) src(%dma_wait3A_13 : memref<10000xi32, #tpu.memory_space<vmem_shared>>) dst(%arg16 : memref<10000xi32, #tpu.memory_space<vmem>>)
    %dma_start3A_14 = arith.constant 0 : i32
    %dma_start3A_15 = tpu.memref_slice %arg21[%dma_start3A_14] : memref<10000xf32, #tpu.memory_space<vmem_shared>> -> memref<10000xf32, #tpu.memory_space<vmem_shared>>
    tpu.enqueue_indirect_dma source(%dma_start3A_15 : memref<10000xf32, #tpu.memory_space<vmem_shared>>) target(%arg17 : memref<10000xf32, #tpu.memory_space<vmem>>) offsets(%arg9 : memref<10000xi32, #tpu.memory_space<vmem>>) semaphore(%arg22 : memref<!tpu.dma_semaphore, #tpu.memory_space<semaphore_mem>>)
    %dma_wait3A_16 = arith.constant 0 : i32
    %dma_wait3A_17 = tpu.memref_slice %arg21[%dma_wait3A_16] : memref<10000xf32, #tpu.memory_space<vmem_shared>> -> memref<10000xf32, #tpu.memory_space<vmem_shared>>
    tpu.wait_indirect_dma semaphore(%arg22 : memref<!tpu.dma_semaphore, #tpu.memory_space<semaphore_mem>>) src(%dma_wait3A_17 : memref<10000xf32, #tpu.memory_space<vmem_shared>>) dst(%arg17 : memref<10000xf32, #tpu.memory_space<vmem>>)
    %scan3A = arith.constant 0 : i32
    %scan3A_18 = arith.constant 0 : i32
    %scan3A_19 = arith.constant 625 : i32
    %scan3A_20 = arith.addi %scan3A_18, %scan3A_19 : i32
    %scan3A_21 = arith.constant 1 : i32
    %scan3A_22 = scf.for %scan3A_31 = %scan3A_18 to %scan3A_20 step %scan3A_21 iter_args(%scan3A_32 = %scan3A) -> (i32)  : i32 {
      %mul3A_33 = arith.constant 16 : i32
      %mul3A_34 = arith.muli %scan3A_31, %mul3A_33 : i32
      %get3A = arith.index_cast %mul3A_34 : i32 to index
      %get3A_35 = tpu.vector_load %arg15[%get3A] {strides = array<i32>} : memref<10000xi32, #tpu.memory_space<vmem>>, vector<16xi32>,
      %get3A_36 = vector.shape_cast %get3A_35 : vector<16xi32> to vector<16xi32>
      %get3A_37 = arith.index_cast %mul3A_34 : i32 to index
      %get3A_38 = tpu.vector_load %arg16[%get3A_37] {strides = array<i32>} : memref<10000xi32, #tpu.memory_space<vmem>>, vector<16xi32>,
      %get3A_39 = vector.shape_cast %get3A_38 : vector<16xi32> to vector<16xi32>
      %get3A_40 = arith.index_cast %mul3A_34 : i32 to index
      %get3A_41 = tpu.vector_load %arg17[%get3A_40] {strides = array<i32>} : memref<10000xf32, #tpu.memory_space<vmem>>, vector<16xf32>,
      %get3A_42 = vector.shape_cast %get3A_41 : vector<16xf32> to vector<16xf32>
      %get3A_43 = arith.index_cast %mul3A_34 : i32 to index
      %get3A_44 = tpu.vector_load %arg11[%get3A_43] {strides = array<i32>} : memref<10000xf32, #tpu.memory_space<vmem>>, vector<16xf32>,
      %get3A_45 = vector.shape_cast %get3A_44 : vector<16xf32> to vector<16xf32>
      %eq3A_46 = arith.constant 1 : i32
      %eq3A_47 = vector.broadcast %eq3A_46 : i32 to vector<16xi32>
      %eq3A_48 = arith.cmpi eq, %get3A_36, %eq3A_47 : vector<16xi32>
      %get3A_49 = arith.index_cast %mul3A_34 : i32 to index
      %get3A_50 = tpu.vector_load %arg12[%get3A_49] {strides = array<i32>} : memref<10000xf32, #tpu.memory_space<vmem>>, vector<16xf32>,
      %get3A_51 = vector.shape_cast %get3A_50 : vector<16xf32> to vector<16xf32>
      %select_n3A = arith.select %eq3A_48, %get3A_51, %get3A_45 : vector<16xi1>, vector<16xf32>
      %eq3A_52 = arith.constant 2 : i32
      %eq3A_53 = vector.broadcast %eq3A_52 : i32 to vector<16xi32>
      %eq3A_54 = arith.cmpi eq, %get3A_36, %eq3A_53 : vector<16xi32>
      %get3A_55 = arith.index_cast %mul3A_34 : i32 to index
      %get3A_56 = tpu.vector_load %arg13[%get3A_55] {strides = array<i32>} : memref<10000xf32, #tpu.memory_space<vmem>>, vector<16xf32>,
      %get3A_57 = vector.shape_cast %get3A_56 : vector<16xf32> to vector<16xf32>
      %select_n3A_58 = arith.select %eq3A_54, %get3A_57, %select_n3A : vector<16xi1>, vector<16xf32>
      %eq3A_59 = arith.constant 3 : i32
      %eq3A_60 = vector.broadcast %eq3A_59 : i32 to vector<16xi32>
      %eq3A_61 = arith.cmpi eq, %get3A_36, %eq3A_60 : vector<16xi32>
      %get3A_62 = arith.index_cast %mul3A_34 : i32 to index
      %get3A_63 = tpu.vector_load %arg14[%get3A_62] {strides = array<i32>} : memref<10000xf32, #tpu.memory_space<vmem>>, vector<16xf32>,
      %get3A_64 = vector.shape_cast %get3A_63 : vector<16xf32> to vector<16xf32>
      %select_n3A_65 = arith.select %eq3A_61, %get3A_64, %select_n3A_58 : vector<16xi1>, vector<16xf32>
      %eq3A_66 = arith.cmpi eq, %get3A_36, %get3A_39 : vector<16xi32>
      %broadcast_in_dim3A = arith.constant 0.000000e+00 : f32
      %broadcast_in_dim3A_67 = vector.broadcast %broadcast_in_dim3A : f32 to vector<16xf32>
      %select_n3A_68 = arith.select %eq3A_66, %select_n3A_65, %broadcast_in_dim3A_67 : vector<16xi1>, vector<16xf32>
      %div3A = arith.divf %select_n3A_68, %get3A_42 : vector<16xf32>
      %swap3A = arith.index_cast %mul3A_34 : i32 to index
      %swap3A_69 = tpu.vector_load %arg18[%swap3A] {strides = array<i32>} : memref<10000xf32, #tpu.memory_space<vmem>>, vector<16xf32>,
      %swap3A_70 = vector.shape_cast %swap3A_69 : vector<16xf32> to vector<16xf32>
      %swap3A_71 = vector.shape_cast %div3A : vector<16xf32> to vector<16xf32>
      tpu.vector_store %arg18[%swap3A], %swap3A_71 {strides = array<i32>} : memref<10000xf32, #tpu.memory_space<vmem>>, vector<16xf32>,
      %scan3A_72 = arith.constant 0 : i32
      scf.yield %scan3A_72 : i32
    }
    %scan3A_23 = arith.constant 625 : i32
    %barrier3A_24 = arith.constant 0 : index
    tpu.barrier barrier_id(%barrier3A_24)
    "tpu.region"() ({
      %run_scoped3A_31 = tpu.sem_alloc : memref<!tpu.dma_semaphore, #tpu.memory_space<semaphore_mem>>
      %dma_start3A_32 = arith.constant 0 : i32
      %dma_start3A_33 = tpu.memref_slice %arg19[%dma_start3A_32] : memref<10000xf32, #tpu.memory_space<vmem_shared>> -> memref<10000xf32, #tpu.memory_space<vmem_shared>>
      tpu.enqueue_indirect_dma source(%arg18 : memref<10000xf32, #tpu.memory_space<vmem>>) target(%dma_start3A_33 : memref<10000xf32, #tpu.memory_space<vmem_shared>>) offsets(%arg10 : memref<10000xi32, #tpu.memory_space<vmem>>) semaphore(%run_scoped3A_31 : memref<!tpu.dma_semaphore, #tpu.memory_space<semaphore_mem>>) {add = true}
      %dma_wait3A_34 = arith.constant 0 : i32
      %dma_wait3A_35 = tpu.memref_slice %arg19[%dma_wait3A_34] : memref<10000xf32, #tpu.memory_space<vmem_shared>> -> memref<10000xf32, #tpu.memory_space<vmem_shared>>
      tpu.wait_indirect_dma semaphore(%run_scoped3A_31 : memref<!tpu.dma_semaphore, #tpu.memory_space<semaphore_mem>>) src(%arg18 : memref<10000xf32, #tpu.memory_space<vmem>>) dst(%dma_wait3A_35 : memref<10000xf32, #tpu.memory_space<vmem_shared>>)
      tpu.yield
    }) : () -> ()
    %barrier3A_25 = arith.constant 0 : index
    tpu.barrier barrier_id(%barrier3A_25)
    %eq3A_26 = arith.constant 0 : i32
    %eq3A_27 = arith.cmpi eq, %arg1, %eq3A_26 : i32
    %convert_element_type3A_28 = arith.extui %eq3A_27 : i1 to i32
    %cond3A_29 = arith.constant 0 : i32
    %cond3A_30 = arith.cmpi ne, %convert_element_type3A_28, %cond3A_29 : i32
    scf.if %cond3A_30 {
      "tpu.region"() ({
        %run_scoped3A_31 = tpu.sem_alloc : memref<!tpu.dma_semaphore, #tpu.memory_space<semaphore_mem>>
        %dma_start3A_32 = arith.constant 0 : i32
        %dma_start3A_33 = tpu.memref_slice %arg8[%arg0, %dma_start3A_32] : memref<2x10000xf32, #tpu.memory_space<hbm>> -> memref<1x10000xf32, #tpu.memory_space<hbm>>
        %dma_start3A_34 = tpu.memref_squeeze %dma_start3A_33 : memref<1x10000xf32, #tpu.memory_space<hbm>> -> memref<10000xf32, #tpu.memory_space<hbm>>
        tpu.enqueue_dma source(%arg19 : memref<10000xf32, #tpu.memory_space<vmem_shared>>) target(%dma_start3A_34 : memref<10000xf32, #tpu.memory_space<hbm>>) target_semaphore(%run_scoped3A_31 : memref<!tpu.dma_semaphore, #tpu.memory_space<semaphore_mem>>)
        %dma_wait3A_35 = arith.constant 0 : i32
        %dma_wait3A_36 = tpu.memref_slice %arg8[%arg0, %dma_wait3A_35] : memref<2x10000xf32, #tpu.memory_space<hbm>> -> memref<1x10000xf32, #tpu.memory_space<hbm>>
        %dma_wait3A_37 = tpu.memref_squeeze %dma_wait3A_36 : memref<1x10000xf32, #tpu.memory_space<hbm>> -> memref<10000xf32, #tpu.memory_space<hbm>>
        tpu.wait_dma2 semaphore(%run_scoped3A_31 : memref<!tpu.dma_semaphore, #tpu.memory_space<semaphore_mem>>) src(%arg19 : memref<10000xf32, #tpu.memory_space<vmem_shared>>) dst(%dma_wait3A_37 : memref<10000xf32, #tpu.memory_space<hbm>>)
        tpu.yield
      }) : () -> ()
    } else {
    }
    return
  }
}

#map = affine_map<(d0, d1) -> (0)>
#map1 = affine_map<(d0, d1) -> (0, 0)>
module attributes {stable_mosaic.version = 14 : i64} {
  func.func @_sc_edge_gather_body(%arg0: i32, %arg1: i32, %arg2: memref<10000xf32, #tpu.memory_space<hbm>>, %arg3: memref<320000xi32, #tpu.memory_space<hbm>>, %arg4: memref<320000xi32, #tpu.memory_space<hbm>>, %arg5: memref<10000xf32, #tpu.memory_space<hbm>>, %arg6: memref<10000xf32, #tpu.memory_space<hbm>>, %arg7: memref<320000xf32, #tpu.memory_space<hbm>>, %arg8: memref<320000xf32, #tpu.memory_space<hbm>>, %arg9: memref<2x10000xf32, #tpu.memory_space<hbm>>, %arg10: memref<10000xi32, #tpu.memory_space<vmem>>, %arg11: memref<10000xi32, #tpu.memory_space<vmem>>, %arg12: memref<10000xf32, #tpu.memory_space<vmem>>, %arg13: memref<10000xf32, #tpu.memory_space<vmem>>, %arg14: memref<10000xf32, #tpu.memory_space<vmem>>, %arg15: memref<10000xf32, #tpu.memory_space<vmem_shared>>, %arg16: memref<!tpu.dma_semaphore, #tpu.memory_space<semaphore_mem>>) attributes {dimension_semantics = [#tpu.dimension_semantics<core_parallel>, #tpu.dimension_semantics<subcore_parallel>], iteration_bounds = array<i64: 2, 16>, scalar_prefetch = 0 : i64, scratch_operands = 7 : i64, tpu.core_type = #tpu.core_type<sc_vector_subcore>, window_params = [{transform_indices = #map}, {transform_indices = #map}, {transform_indices = #map}, {transform_indices = #map}, {transform_indices = #map}, {transform_indices = #map}, {transform_indices = #map}, {transform_indices = #map1}]} {
    %mul3A = arith.constant 2 : i32
    %mul3A_0 = arith.muli %arg1, %mul3A : i32
    %add3A = arith.addi %mul3A_0, %arg0 : i32
    %mul3A_1 = arith.constant 10000 : i32
    %mul3A_2 = arith.muli %add3A, %mul3A_1 : i32
    "tpu.region"() ({
      %run_scoped3A = tpu.sem_alloc : memref<!tpu.dma_semaphore, #tpu.memory_space<semaphore_mem>>
      %dma_start3A_17 = tpu.memref_slice %arg3[%mul3A_2] : memref<320000xi32, #tpu.memory_space<hbm>> -> memref<10000xi32, #tpu.memory_space<hbm>>
      %dma_start3A_18 = tpu.memref_slice %arg3[%mul3A_2] : memref<320000xi32, #tpu.memory_space<hbm>> -> memref<10000xi32, #tpu.memory_space<hbm>>
      tpu.enqueue_dma source(%dma_start3A_18 : memref<10000xi32, #tpu.memory_space<hbm>>) target(%arg10 : memref<10000xi32, #tpu.memory_space<vmem>>) target_semaphore(%run_scoped3A : memref<!tpu.dma_semaphore, #tpu.memory_space<semaphore_mem>>)
      %dma_wait3A_19 = tpu.memref_slice %arg3[%mul3A_2] : memref<320000xi32, #tpu.memory_space<hbm>> -> memref<10000xi32, #tpu.memory_space<hbm>>
      %dma_wait3A_20 = tpu.memref_slice %arg3[%mul3A_2] : memref<320000xi32, #tpu.memory_space<hbm>> -> memref<10000xi32, #tpu.memory_space<hbm>>
      tpu.wait_dma2 semaphore(%run_scoped3A : memref<!tpu.dma_semaphore, #tpu.memory_space<semaphore_mem>>) src(%dma_wait3A_20 : memref<10000xi32, #tpu.memory_space<hbm>>) dst(%arg10 : memref<10000xi32, #tpu.memory_space<vmem>>)
      tpu.yield
    }) : () -> ()
    "tpu.region"() ({
      %run_scoped3A = tpu.sem_alloc : memref<!tpu.dma_semaphore, #tpu.memory_space<semaphore_mem>>
      %dma_start3A_17 = tpu.memref_slice %arg4[%mul3A_2] : memref<320000xi32, #tpu.memory_space<hbm>> -> memref<10000xi32, #tpu.memory_space<hbm>>
      %dma_start3A_18 = tpu.memref_slice %arg4[%mul3A_2] : memref<320000xi32, #tpu.memory_space<hbm>> -> memref<10000xi32, #tpu.memory_space<hbm>>
      tpu.enqueue_dma source(%dma_start3A_18 : memref<10000xi32, #tpu.memory_space<hbm>>) target(%arg11 : memref<10000xi32, #tpu.memory_space<vmem>>) target_semaphore(%run_scoped3A : memref<!tpu.dma_semaphore, #tpu.memory_space<semaphore_mem>>)
      %dma_wait3A_19 = tpu.memref_slice %arg4[%mul3A_2] : memref<320000xi32, #tpu.memory_space<hbm>> -> memref<10000xi32, #tpu.memory_space<hbm>>
      %dma_wait3A_20 = tpu.memref_slice %arg4[%mul3A_2] : memref<320000xi32, #tpu.memory_space<hbm>> -> memref<10000xi32, #tpu.memory_space<hbm>>
      tpu.wait_dma2 semaphore(%run_scoped3A : memref<!tpu.dma_semaphore, #tpu.memory_space<semaphore_mem>>) src(%dma_wait3A_20 : memref<10000xi32, #tpu.memory_space<hbm>>) dst(%arg11 : memref<10000xi32, #tpu.memory_space<vmem>>)
      tpu.yield
    }) : () -> ()
    "tpu.region"() ({
      %run_scoped3A = tpu.sem_alloc : memref<!tpu.dma_semaphore, #tpu.memory_space<semaphore_mem>>
      tpu.enqueue_dma source(%arg5 : memref<10000xf32, #tpu.memory_space<hbm>>) target(%arg14 : memref<10000xf32, #tpu.memory_space<vmem>>) target_semaphore(%run_scoped3A : memref<!tpu.dma_semaphore, #tpu.memory_space<semaphore_mem>>)
      tpu.wait_dma2 semaphore(%run_scoped3A : memref<!tpu.dma_semaphore, #tpu.memory_space<semaphore_mem>>) src(%arg5 : memref<10000xf32, #tpu.memory_space<hbm>>) dst(%arg14 : memref<10000xf32, #tpu.memory_space<vmem>>)
      tpu.yield
    }) : () -> ()
    %eq3A = arith.constant 0 : i32
    %eq3A_3 = arith.cmpi eq, %arg1, %eq3A : i32
    %convert_element_type3A = arith.extui %eq3A_3 : i1 to i32
    %cond3A = arith.constant 0 : i32
    %cond3A_4 = arith.cmpi ne, %convert_element_type3A, %cond3A : i32
    scf.if %cond3A_4 {
      "tpu.region"() ({
        %run_scoped3A = tpu.sem_alloc : memref<!tpu.dma_semaphore, #tpu.memory_space<semaphore_mem>>
        tpu.enqueue_dma source(%arg6 : memref<10000xf32, #tpu.memory_space<hbm>>) target(%arg15 : memref<10000xf32, #tpu.memory_space<vmem_shared>>) target_semaphore(%run_scoped3A : memref<!tpu.dma_semaphore, #tpu.memory_space<semaphore_mem>>)
        tpu.wait_dma2 semaphore(%run_scoped3A : memref<!tpu.dma_semaphore, #tpu.memory_space<semaphore_mem>>) src(%arg6 : memref<10000xf32, #tpu.memory_space<hbm>>) dst(%arg15 : memref<10000xf32, #tpu.memory_space<vmem_shared>>)
        tpu.yield
      }) : () -> ()
    } else {
    }
    %barrier3A = arith.constant 0 : index
    tpu.barrier barrier_id(%barrier3A)
    %dma_start3A = arith.constant 0 : i32
    %dma_start3A_5 = tpu.memref_slice %arg2[%dma_start3A] : memref<10000xf32, #tpu.memory_space<hbm>> -> memref<10000xf32, #tpu.memory_space<hbm>>
    tpu.enqueue_indirect_dma source(%dma_start3A_5 : memref<10000xf32, #tpu.memory_space<hbm>>) target(%arg12 : memref<10000xf32, #tpu.memory_space<vmem>>) offsets(%arg11 : memref<10000xi32, #tpu.memory_space<vmem>>) semaphore(%arg16 : memref<!tpu.dma_semaphore, #tpu.memory_space<semaphore_mem>>)
    %dma_wait3A = arith.constant 0 : i32
    %dma_wait3A_6 = tpu.memref_slice %arg2[%dma_wait3A] : memref<10000xf32, #tpu.memory_space<hbm>> -> memref<10000xf32, #tpu.memory_space<hbm>>
    tpu.wait_indirect_dma semaphore(%arg16 : memref<!tpu.dma_semaphore, #tpu.memory_space<semaphore_mem>>) src(%dma_wait3A_6 : memref<10000xf32, #tpu.memory_space<hbm>>) dst(%arg12 : memref<10000xf32, #tpu.memory_space<vmem>>)
    %dma_start3A_7 = arith.constant 0 : i32
    %dma_start3A_8 = tpu.memref_slice %arg2[%dma_start3A_7] : memref<10000xf32, #tpu.memory_space<hbm>> -> memref<10000xf32, #tpu.memory_space<hbm>>
    tpu.enqueue_indirect_dma source(%dma_start3A_8 : memref<10000xf32, #tpu.memory_space<hbm>>) target(%arg13 : memref<10000xf32, #tpu.memory_space<vmem>>) offsets(%arg10 : memref<10000xi32, #tpu.memory_space<vmem>>) semaphore(%arg16 : memref<!tpu.dma_semaphore, #tpu.memory_space<semaphore_mem>>)
    %dma_wait3A_9 = arith.constant 0 : i32
    %dma_wait3A_10 = tpu.memref_slice %arg2[%dma_wait3A_9] : memref<10000xf32, #tpu.memory_space<hbm>> -> memref<10000xf32, #tpu.memory_space<hbm>>
    tpu.wait_indirect_dma semaphore(%arg16 : memref<!tpu.dma_semaphore, #tpu.memory_space<semaphore_mem>>) src(%dma_wait3A_10 : memref<10000xf32, #tpu.memory_space<hbm>>) dst(%arg13 : memref<10000xf32, #tpu.memory_space<vmem>>)
    "tpu.region"() ({
      %run_scoped3A = tpu.sem_alloc : memref<!tpu.dma_semaphore, #tpu.memory_space<semaphore_mem>>
      %dma_start3A_17 = tpu.memref_slice %arg7[%mul3A_2] : memref<320000xf32, #tpu.memory_space<hbm>> -> memref<10000xf32, #tpu.memory_space<hbm>>
      %dma_start3A_18 = tpu.memref_slice %arg7[%mul3A_2] : memref<320000xf32, #tpu.memory_space<hbm>> -> memref<10000xf32, #tpu.memory_space<hbm>>
      tpu.enqueue_dma source(%arg12 : memref<10000xf32, #tpu.memory_space<vmem>>) target(%dma_start3A_18 : memref<10000xf32, #tpu.memory_space<hbm>>) target_semaphore(%run_scoped3A : memref<!tpu.dma_semaphore, #tpu.memory_space<semaphore_mem>>)
      %dma_wait3A_19 = tpu.memref_slice %arg7[%mul3A_2] : memref<320000xf32, #tpu.memory_space<hbm>> -> memref<10000xf32, #tpu.memory_space<hbm>>
      %dma_wait3A_20 = tpu.memref_slice %arg7[%mul3A_2] : memref<320000xf32, #tpu.memory_space<hbm>> -> memref<10000xf32, #tpu.memory_space<hbm>>
      tpu.wait_dma2 semaphore(%run_scoped3A : memref<!tpu.dma_semaphore, #tpu.memory_space<semaphore_mem>>) src(%arg12 : memref<10000xf32, #tpu.memory_space<vmem>>) dst(%dma_wait3A_20 : memref<10000xf32, #tpu.memory_space<hbm>>)
      tpu.yield
    }) : () -> ()
    "tpu.region"() ({
      %run_scoped3A = tpu.sem_alloc : memref<!tpu.dma_semaphore, #tpu.memory_space<semaphore_mem>>
      %dma_start3A_17 = tpu.memref_slice %arg8[%mul3A_2] : memref<320000xf32, #tpu.memory_space<hbm>> -> memref<10000xf32, #tpu.memory_space<hbm>>
      %dma_start3A_18 = tpu.memref_slice %arg8[%mul3A_2] : memref<320000xf32, #tpu.memory_space<hbm>> -> memref<10000xf32, #tpu.memory_space<hbm>>
      tpu.enqueue_dma source(%arg13 : memref<10000xf32, #tpu.memory_space<vmem>>) target(%dma_start3A_18 : memref<10000xf32, #tpu.memory_space<hbm>>) target_semaphore(%run_scoped3A : memref<!tpu.dma_semaphore, #tpu.memory_space<semaphore_mem>>)
      %dma_wait3A_19 = tpu.memref_slice %arg8[%mul3A_2] : memref<320000xf32, #tpu.memory_space<hbm>> -> memref<10000xf32, #tpu.memory_space<hbm>>
      %dma_wait3A_20 = tpu.memref_slice %arg8[%mul3A_2] : memref<320000xf32, #tpu.memory_space<hbm>> -> memref<10000xf32, #tpu.memory_space<hbm>>
      tpu.wait_dma2 semaphore(%run_scoped3A : memref<!tpu.dma_semaphore, #tpu.memory_space<semaphore_mem>>) src(%arg13 : memref<10000xf32, #tpu.memory_space<vmem>>) dst(%dma_wait3A_20 : memref<10000xf32, #tpu.memory_space<hbm>>)
      tpu.yield
    }) : () -> ()
    "tpu.region"() ({
      %run_scoped3A = tpu.sem_alloc : memref<!tpu.dma_semaphore, #tpu.memory_space<semaphore_mem>>
      %dma_start3A_17 = arith.constant 0 : i32
      %dma_start3A_18 = tpu.memref_slice %arg15[%dma_start3A_17] : memref<10000xf32, #tpu.memory_space<vmem_shared>> -> memref<10000xf32, #tpu.memory_space<vmem_shared>>
      tpu.enqueue_indirect_dma source(%arg14 : memref<10000xf32, #tpu.memory_space<vmem>>) target(%dma_start3A_18 : memref<10000xf32, #tpu.memory_space<vmem_shared>>) offsets(%arg10 : memref<10000xi32, #tpu.memory_space<vmem>>) semaphore(%run_scoped3A : memref<!tpu.dma_semaphore, #tpu.memory_space<semaphore_mem>>) {add = true}
      %dma_wait3A_19 = arith.constant 0 : i32
      %dma_wait3A_20 = tpu.memref_slice %arg15[%dma_wait3A_19] : memref<10000xf32, #tpu.memory_space<vmem_shared>> -> memref<10000xf32, #tpu.memory_space<vmem_shared>>
      tpu.wait_indirect_dma semaphore(%run_scoped3A : memref<!tpu.dma_semaphore, #tpu.memory_space<semaphore_mem>>) src(%arg14 : memref<10000xf32, #tpu.memory_space<vmem>>) dst(%dma_wait3A_20 : memref<10000xf32, #tpu.memory_space<vmem_shared>>)
      tpu.yield
    }) : () -> ()
    %barrier3A_11 = arith.constant 0 : index
    tpu.barrier barrier_id(%barrier3A_11)
    %eq3A_12 = arith.constant 0 : i32
    %eq3A_13 = arith.cmpi eq, %arg1, %eq3A_12 : i32
    %convert_element_type3A_14 = arith.extui %eq3A_13 : i1 to i32
    %cond3A_15 = arith.constant 0 : i32
    %cond3A_16 = arith.cmpi ne, %convert_element_type3A_14, %cond3A_15 : i32
    scf.if %cond3A_16 {
      "tpu.region"() ({
        %run_scoped3A = tpu.sem_alloc : memref<!tpu.dma_semaphore, #tpu.memory_space<semaphore_mem>>
        %dma_start3A_17 = arith.constant 0 : i32
        %dma_start3A_18 = tpu.memref_slice %arg9[%arg0, %dma_start3A_17] : memref<2x10000xf32, #tpu.memory_space<hbm>> -> memref<1x10000xf32, #tpu.memory_space<hbm>>
        %dma_start3A_19 = tpu.memref_squeeze %dma_start3A_18 : memref<1x10000xf32, #tpu.memory_space<hbm>> -> memref<10000xf32, #tpu.memory_space<hbm>>
        tpu.enqueue_dma source(%arg15 : memref<10000xf32, #tpu.memory_space<vmem_shared>>) target(%dma_start3A_19 : memref<10000xf32, #tpu.memory_space<hbm>>) target_semaphore(%run_scoped3A : memref<!tpu.dma_semaphore, #tpu.memory_space<semaphore_mem>>)
        %dma_wait3A_20 = arith.constant 0 : i32
        %dma_wait3A_21 = tpu.memref_slice %arg9[%arg0, %dma_wait3A_20] : memref<2x10000xf32, #tpu.memory_space<hbm>> -> memref<1x10000xf32, #tpu.memory_space<hbm>>
        %dma_wait3A_22 = tpu.memref_squeeze %dma_wait3A_21 : memref<1x10000xf32, #tpu.memory_space<hbm>> -> memref<10000xf32, #tpu.memory_space<hbm>>
        tpu.wait_dma2 semaphore(%run_scoped3A : memref<!tpu.dma_semaphore, #tpu.memory_space<semaphore_mem>>) src(%arg15 : memref<10000xf32, #tpu.memory_space<vmem_shared>>) dst(%dma_wait3A_22 : memref<10000xf32, #tpu.memory_space<hbm>>)
        tpu.yield
      }) : () -> ()
    } else {
    }
    return
  }
}

module attributes {stable_mosaic.version = 14 : i64} {
  func.func @_edge_mlp_body(%arg0: i32, %arg1: memref<6400x1xf32, #tpu.memory_space<vmem>>, %arg2: memref<6400x1xf32, #tpu.memory_space<vmem>>, %arg3: memref<2x64xf32, #tpu.memory_space<vmem>>, %arg4: memref<1x64xf32, #tpu.memory_space<vmem>>, %arg5: memref<64x64xf32, #tpu.memory_space<vmem>>, %arg6: memref<1x64xf32, #tpu.memory_space<vmem>>, %arg7: memref<2x6400xf32, #tpu.memory_space<vmem>>, %arg8: memref<3x2xf32, #tpu.memory_space<vmem>>, %arg9: memref<4x3xf32, #tpu.memory_space<vmem>>, %arg10: memref<6400x64xf32, #tpu.memory_space<vmem>>, %arg11: memref<4x6400xf32, #tpu.memory_space<vmem>>) attributes {dimension_semantics = [#tpu.dimension_semantics<arbitrary>], iteration_bounds = array<i64: 50>, scalar_prefetch = 0 : i64, scratch_operands = 0 : i64, tpu.core_type = #tpu.core_type<tc>, window_params = [{transform_indices = @transform_0, window_bounds = array<i64: 6400, 1>}, {transform_indices = @transform_1, window_bounds = array<i64: 6400, 1>}, {pipeline_mode = #tpu.pipeline_mode<synchronous>, transform_indices = @transform_2, window_bounds = array<i64: 2, 64>}, {pipeline_mode = #tpu.pipeline_mode<synchronous>, transform_indices = @transform_3, window_bounds = array<i64: 1, 64>}, {pipeline_mode = #tpu.pipeline_mode<synchronous>, transform_indices = @transform_4, window_bounds = array<i64: 64, 64>}, {pipeline_mode = #tpu.pipeline_mode<synchronous>, transform_indices = @transform_5, window_bounds = array<i64: 1, 64>}, {transform_indices = @transform_6, window_bounds = array<i64: 2, 6400>}, {pipeline_mode = #tpu.pipeline_mode<synchronous>, transform_indices = @transform_7, window_bounds = array<i64: 3, 2>}, {pipeline_mode = #tpu.pipeline_mode<synchronous>, transform_indices = @transform_8, window_bounds = array<i64: 4, 3>}, {transform_indices = @transform_9, window_bounds = array<i64: 6400, 64>}, {transform_indices = @transform_10, window_bounds = array<i64: 4, 6400>}]} {
    %get3A = arith.constant 0 : index
    %get3A_0 = arith.constant 0 : index
    %get3A_1 = vector.load %arg1[%get3A, %get3A_0] : memref<6400x1xf32, #tpu.memory_space<vmem>>, vector<6400x1xf32>
    %get3A_2 = arith.constant 0 : index
    %get3A_3 = arith.constant 0 : index
    %get3A_4 = vector.load %arg2[%get3A_2, %get3A_3] : memref<6400x1xf32, #tpu.memory_space<vmem>>, vector<6400x1xf32>
    %sub3A = arith.subf %get3A_4, %get3A_1 : vector<6400x1xf32>
    %get3A_5 = arith.constant 0 : index
    %get3A_6 = arith.constant 0 : index
    %get3A_7 = vector.load %arg3[%get3A_5, %get3A_6] : memref<2x64xf32, #tpu.memory_space<vmem>>, vector<2x64xf32>
    %slice3A = vector.extract_strided_slice %get3A_7 {offsets = [0, 0], sizes = [1, 64], strides = [1, 1]} : vector<2x64xf32> to vector<1x64xf32>
    %mul3A = vector.broadcast %get3A_1 : vector<6400x1xf32> to vector<6400x64xf32>
    %mul3A_8 = vector.broadcast %slice3A : vector<1x64xf32> to vector<6400x64xf32>
    %mul3A_9 = arith.mulf %mul3A, %mul3A_8 : vector<6400x64xf32>
    %slice3A_10 = vector.extract_strided_slice %get3A_7 {offsets = [1, 0], sizes = [1, 64], strides = [1, 1]} : vector<2x64xf32> to vector<1x64xf32>
    %mul3A_11 = vector.broadcast %sub3A : vector<6400x1xf32> to vector<6400x64xf32>
    %mul3A_12 = vector.broadcast %slice3A_10 : vector<1x64xf32> to vector<6400x64xf32>
    %mul3A_13 = arith.mulf %mul3A_11, %mul3A_12 : vector<6400x64xf32>
    %add3A = arith.addf %mul3A_9, %mul3A_13 : vector<6400x64xf32>
    %get3A_14 = arith.constant 0 : index
    %get3A_15 = arith.constant 0 : index
    %get3A_16 = vector.load %arg4[%get3A_14, %get3A_15] : memref<1x64xf32, #tpu.memory_space<vmem>>, vector<1x64xf32>
    %add3A_17 = vector.broadcast %get3A_16 : vector<1x64xf32> to vector<6400x64xf32>
    %add3A_18 = arith.addf %add3A, %add3A_17 : vector<6400x64xf32>
    %max3A = arith.constant 0.000000e+00 : f32
    %max3A_19 = vector.broadcast %max3A : f32 to vector<6400x64xf32>
    %max3A_20 = arith.maximumf %add3A_18, %max3A_19 : vector<6400x64xf32>
    %get3A_21 = arith.constant 0 : index
    %get3A_22 = arith.constant 0 : index
    %get3A_23 = vector.load %arg5[%get3A_21, %get3A_22] : memref<64x64xf32, #tpu.memory_space<vmem>>, vector<64x64xf32>
    %dot_general3A = arith.constant dense<0.000000e+00> : vector<6400x64xf32>
    %dot_general3A_24 = tpu.matmul %max3A_20, %get3A_23, %dot_general3A {dimension_numbers = #tpu.dot_dimension_numbers<[1], [0], [0], [1], [0, 0, 1, 1], [], []>, precision = #tpu.contract_precision<fp32>, transpose_lhs_hint = false} : vector<6400x64xf32>, vector<64x64xf32>, vector<6400x64xf32> -> vector<6400x64xf32>
    %get3A_25 = arith.constant 0 : index
    %get3A_26 = arith.constant 0 : index
    %get3A_27 = vector.load %arg6[%get3A_25, %get3A_26] : memref<1x64xf32, #tpu.memory_space<vmem>>, vector<1x64xf32>
    %add3A_28 = vector.broadcast %get3A_27 : vector<1x64xf32> to vector<6400x64xf32>
    %add3A_29 = arith.addf %dot_general3A_24, %add3A_28 : vector<6400x64xf32>
    %max3A_30 = arith.constant 0.000000e+00 : f32
    %max3A_31 = vector.broadcast %max3A_30 : f32 to vector<6400x64xf32>
    %max3A_32 = arith.maximumf %add3A_29, %max3A_31 : vector<6400x64xf32>
    %swap3A = arith.constant 0 : index
    %swap3A_33 = arith.constant 0 : index
    %swap3A_34 = vector.load %arg10[%swap3A, %swap3A_33] : memref<6400x64xf32, #tpu.memory_space<vmem>>, vector<6400x64xf32>
    tpu.vector_store %arg10[%swap3A, %swap3A_33], %max3A_32 {strides = array<i32>} : memref<6400x64xf32, #tpu.memory_space<vmem>>, vector<6400x64xf32>,
    %get3A_35 = arith.constant 0 : index
    %get3A_36 = arith.constant 0 : index
    %get3A_37 = vector.load %arg8[%get3A_35, %get3A_36] : memref<3x2xf32, #tpu.memory_space<vmem>>, vector<3x2xf32>
    %get3A_38 = arith.constant 0 : index
    %get3A_39 = arith.constant 0 : index
    %get3A_40 = vector.load %arg7[%get3A_38, %get3A_39] : memref<2x6400xf32, #tpu.memory_space<vmem>>, vector<2x6400xf32>
    %dot_general3A_41 = arith.constant dense<0.000000e+00> : vector<3x6400xf32>
    %dot_general3A_42 = tpu.matmul %get3A_37, %get3A_40, %dot_general3A_41 {dimension_numbers = #tpu.dot_dimension_numbers<[1], [0], [0], [1], [0, 0, 1, 1], [], []>, precision = #tpu.contract_precision<fp32>, transpose_lhs_hint = false} : vector<3x2xf32>, vector<2x6400xf32>, vector<3x6400xf32> -> vector<3x6400xf32>
    %slice3A_43 = vector.extract_strided_slice %dot_general3A_42 {offsets = [1, 0], sizes = [1, 6400], strides = [1, 1]} : vector<3x6400xf32> to vector<1x6400xf32>
    %slice3A_44 = vector.extract_strided_slice %dot_general3A_42 {offsets = [2, 0], sizes = [1, 6400], strides = [1, 1]} : vector<3x6400xf32> to vector<1x6400xf32>
    %ge3A = arith.constant 0.000000e+00 : f32
    %ge3A_45 = vector.broadcast %ge3A : f32 to vector<1x6400xf32>
    %ge3A_46 = arith.cmpf oge, %slice3A_43, %ge3A_45 : vector<1x6400xf32>
    %mul3A_47 = arith.constant 1.000000e-01 : f32
    %mul3A_48 = vector.broadcast %mul3A_47 : f32 to vector<1x6400xf32>
    %mul3A_49 = arith.mulf %mul3A_48, %slice3A_43 : vector<1x6400xf32>
    %select_n3A = arith.select %ge3A_46, %slice3A_43, %mul3A_49 : vector<1x6400xi1>, vector<1x6400xf32>
    %ge3A_50 = arith.constant 0.000000e+00 : f32
    %ge3A_51 = vector.broadcast %ge3A_50 : f32 to vector<1x6400xf32>
    %ge3A_52 = arith.cmpf oge, %slice3A_44, %ge3A_51 : vector<1x6400xf32>
    %mul3A_53 = arith.constant 1.000000e-01 : f32
    %mul3A_54 = vector.broadcast %mul3A_53 : f32 to vector<1x6400xf32>
    %mul3A_55 = arith.mulf %mul3A_54, %slice3A_44 : vector<1x6400xf32>
    %select_n3A_56 = arith.select %ge3A_52, %slice3A_44, %mul3A_55 : vector<1x6400xi1>, vector<1x6400xf32>
    %slice3A_57 = vector.extract_strided_slice %dot_general3A_42 {offsets = [0, 0], sizes = [1, 6400], strides = [1, 1]} : vector<3x6400xf32> to vector<1x6400xf32>
    %mul3A_58 = arith.mulf %select_n3A_56, %select_n3A_56 : vector<1x6400xf32>
    %concatenate3A = tpu.concatenate %slice3A_57, %select_n3A, %mul3A_58 in 0 : vector<1x6400xf32>, vector<1x6400xf32>, vector<1x6400xf32> -> vector<3x6400xf32>
    %get3A_59 = arith.constant 0 : index
    %get3A_60 = arith.constant 0 : index
    %get3A_61 = vector.load %arg9[%get3A_59, %get3A_60] : memref<4x3xf32, #tpu.memory_space<vmem>>, vector<4x3xf32>
    %dot_general3A_62 = arith.constant dense<0.000000e+00> : vector<4x6400xf32>
    %dot_general3A_63 = tpu.matmul %get3A_61, %concatenate3A, %dot_general3A_62 {dimension_numbers = #tpu.dot_dimension_numbers<[1], [0], [0], [1], [0, 0, 1, 1], [], []>, precision = #tpu.contract_precision<fp32>, transpose_lhs_hint = false} : vector<4x3xf32>, vector<3x6400xf32>, vector<4x6400xf32> -> vector<4x6400xf32>
    %swap3A_64 = arith.constant 0 : index
    %swap3A_65 = arith.constant 0 : index
    %swap3A_66 = vector.load %arg11[%swap3A_64, %swap3A_65] : memref<4x6400xf32, #tpu.memory_space<vmem>>, vector<4x6400xf32>
    tpu.vector_store %arg11[%swap3A_64, %swap3A_65], %dot_general3A_63 {strides = array<i32>} : memref<4x6400xf32, #tpu.memory_space<vmem>>, vector<4x6400xf32>,
    return
  }
  func.func @transform_0(%arg0: i32) -> (i32, i32) {
    %c0_i32 = arith.constant 0 : i32
    %c0_i32_0 = arith.constant 0 : i32
    return %arg0, %c0_i32 : i32, i32
  }
  func.func @transform_1(%arg0: i32) -> (i32, i32) {
    %c0_i32 = arith.constant 0 : i32
    %c0_i32_0 = arith.constant 0 : i32
    return %arg0, %c0_i32 : i32, i32
  }
  func.func @transform_2(%arg0: i32) -> (i32, i32) {
    %c0_i32 = arith.constant 0 : i32
    %c0_i32_0 = arith.constant 0 : i32
    %c0_i32_1 = arith.constant 0 : i32
    return %c0_i32, %c0_i32_0 : i32, i32
  }
  func.func @transform_3(%arg0: i32) -> (i32, i32) {
    %c0_i32 = arith.constant 0 : i32
    %c0_i32_0 = arith.constant 0 : i32
    %c0_i32_1 = arith.constant 0 : i32
    return %c0_i32, %c0_i32_0 : i32, i32
  }
  func.func @transform_4(%arg0: i32) -> (i32, i32) {
    %c0_i32 = arith.constant 0 : i32
    %c0_i32_0 = arith.constant 0 : i32
    %c0_i32_1 = arith.constant 0 : i32
    return %c0_i32, %c0_i32_0 : i32, i32
  }
  func.func @transform_5(%arg0: i32) -> (i32, i32) {
    %c0_i32 = arith.constant 0 : i32
    %c0_i32_0 = arith.constant 0 : i32
    %c0_i32_1 = arith.constant 0 : i32
    return %c0_i32, %c0_i32_0 : i32, i32
  }
  func.func @transform_6(%arg0: i32) -> (i32, i32) {
    %c0_i32 = arith.constant 0 : i32
    %c0_i32_0 = arith.constant 0 : i32
    return %c0_i32, %arg0 : i32, i32
  }
  func.func @transform_7(%arg0: i32) -> (i32, i32) {
    %c0_i32 = arith.constant 0 : i32
    %c0_i32_0 = arith.constant 0 : i32
    %c0_i32_1 = arith.constant 0 : i32
    return %c0_i32, %c0_i32_0 : i32, i32
  }
  func.func @transform_8(%arg0: i32) -> (i32, i32) {
    %c0_i32 = arith.constant 0 : i32
    %c0_i32_0 = arith.constant 0 : i32
    %c0_i32_1 = arith.constant 0 : i32
    return %c0_i32, %c0_i32_0 : i32, i32
  }
  func.func @transform_9(%arg0: i32) -> (i32, i32) {
    %c0_i32 = arith.constant 0 : i32
    %c0_i32_0 = arith.constant 0 : i32
    return %arg0, %c0_i32 : i32, i32
  }
  func.func @transform_10(%arg0: i32) -> (i32, i32) {
    %c0_i32 = arith.constant 0 : i32
    %c0_i32_0 = arith.constant 0 : i32
    return %c0_i32, %arg0 : i32, i32
  }
}

module attributes {stable_mosaic.version = 14 : i64} {
  func.func @_kmeans_body(%arg0: memref<10000x64xf32, #tpu.memory_space<vmem>>, %arg1: memref<64x10000xf32, #tpu.memory_space<vmem>>, %arg2: memref<4x64xf32, #tpu.memory_space<vmem>>, %arg3: memref<1x10000xi32, #tpu.memory_space<vmem>>) attributes {dimension_semantics = [], scalar_prefetch = 0 : i64, scratch_operands = 0 : i64, tpu.core_type = #tpu.core_type<tc>} {
    %get3A = arith.constant 0 : index
    %get3A_0 = arith.constant 0 : index
    %get3A_1 = vector.load %arg0[%get3A, %get3A_0] : memref<10000x64xf32, #tpu.memory_space<vmem>>, vector<10000x64xf32>
    %get3A_2 = arith.constant 0 : index
    %get3A_3 = arith.constant 0 : index
    %get3A_4 = vector.load %arg1[%get3A_2, %get3A_3] : memref<64x10000xf32, #tpu.memory_space<vmem>>, vector<64x10000xf32>
    %mul3A = arith.mulf %get3A_4, %get3A_4 : vector<64x10000xf32>
    %reduce_sum3A = arith.constant dense<0.000000e+00> : vector<10000xf32>
    %reduce_sum3A_5 = vector.multi_reduction <add>, %mul3A, %reduce_sum3A [0] : vector<64x10000xf32> to vector<10000xf32>
    %broadcast_in_dim3A = vector.shape_cast %reduce_sum3A_5 : vector<10000xf32> to vector<1x10000xf32>
    %get3A_6 = arith.constant 0 : index
    %get3A_7 = arith.constant 0 : index
    %get3A_8 = vector.load %arg2[%get3A_6, %get3A_7] : memref<4x64xf32, #tpu.memory_space<vmem>>, vector<4x64xf32>
    %while3A = arith.constant 0 : i32
    %while3A_9 = arith.constant false
    %while3A_10:3 = scf.while (%while3A_11 = %get3A_8, %while3A_12 = %while3A, %while3A_13 = %while3A_9) : (vector<4x64xf32>, i32, i1) -> (vector<4x64xf32>, i32, i1) {
      %lt3A = arith.constant 300 : i32
      %lt3A_14 = arith.cmpi slt, %while3A_12, %lt3A : i32
      %not3A = arith.constant true
      %not3A_15 = arith.xori %while3A_13, %not3A : i1
      %and3A = arith.andi %lt3A_14, %not3A_15 : i1
      scf.condition(%and3A) %while3A_11, %while3A_12, %while3A_13 : vector<4x64xf32>, i32, i1
    } do {
    ^bb0(%while3A_11: vector<4x64xf32>, %while3A_12: i32, %while3A_13: i1):
      %mul3A_14 = arith.mulf %while3A_11, %while3A_11 : vector<4x64xf32>
      %reduce_sum3A_15 = arith.constant dense<0.000000e+00> : vector<4xf32>
      %reduce_sum3A_16 = vector.multi_reduction <add>, %mul3A_14, %reduce_sum3A_15 [1] : vector<4x64xf32> to vector<4xf32>
      %broadcast_in_dim3A_17 = vector.shape_cast %reduce_sum3A_16 : vector<4xf32> to vector<4x1xf32>
      %dot_general3A = arith.constant dense<0.000000e+00> : vector<4x10000xf32>
      %dot_general3A_18 = tpu.matmul %while3A_11, %get3A_4, %dot_general3A {dimension_numbers = #tpu.dot_dimension_numbers<[1], [0], [0], [1], [0, 0, 1, 1], [], []>, precision = #tpu.contract_precision<fp32>, transpose_lhs_hint = false} : vector<4x64xf32>, vector<64x10000xf32>, vector<4x10000xf32> -> vector<4x10000xf32>
      %add3A = vector.broadcast %broadcast_in_dim3A : vector<1x10000xf32> to vector<4x10000xf32>
      %add3A_19 = vector.broadcast %broadcast_in_dim3A_17 : vector<4x1xf32> to vector<4x10000xf32>
      %add3A_20 = arith.addf %add3A, %add3A_19 : vector<4x10000xf32>
      %mul3A_21 = arith.constant 2.000000e+00 : f32
      %mul3A_22 = vector.broadcast %mul3A_21 : f32 to vector<4x10000xf32>
      %mul3A_23 = arith.mulf %mul3A_22, %dot_general3A_18 : vector<4x10000xf32>
      %sub3A = arith.subf %add3A_20, %mul3A_23 : vector<4x10000xf32>
      %max3A = arith.constant 0.000000e+00 : f32
      %max3A_24 = vector.broadcast %max3A : f32 to vector<4x10000xf32>
      %max3A_25 = arith.maximumf %sub3A, %max3A_24 : vector<4x10000xf32>
      %slice3A = vector.extract_strided_slice %max3A_25 {offsets = [0, 0], sizes = [1, 10000], strides = [1, 1]} : vector<4x10000xf32> to vector<1x10000xf32>
      %broadcast_in_dim3A_26 = arith.constant 0 : i32
      %broadcast_in_dim3A_27 = vector.broadcast %broadcast_in_dim3A_26 : i32 to vector<1x10000xi32>
      %slice3A_28 = vector.extract_strided_slice %max3A_25 {offsets = [1, 0], sizes = [1, 10000], strides = [1, 1]} : vector<4x10000xf32> to vector<1x10000xf32>
      %lt3A = arith.cmpf olt, %slice3A_28, %slice3A : vector<1x10000xf32>
      %slice3A_29 = vector.extract_strided_slice %max3A_25 {offsets = [1, 0], sizes = [1, 10000], strides = [1, 1]} : vector<4x10000xf32> to vector<1x10000xf32>
      %select_n3A = arith.select %lt3A, %slice3A_29, %slice3A : vector<1x10000xi1>, vector<1x10000xf32>
      %jit3A = arith.constant 1 : i32
      %broadcast_in_dim3A_30 = vector.broadcast %jit3A : i32 to vector<1x10000xi32>
      %select_n3A_31 = arith.select %lt3A, %broadcast_in_dim3A_30, %broadcast_in_dim3A_27 : vector<1x10000xi1>, vector<1x10000xi32>
      %slice3A_32 = vector.extract_strided_slice %max3A_25 {offsets = [2, 0], sizes = [1, 10000], strides = [1, 1]} : vector<4x10000xf32> to vector<1x10000xf32>
      %lt3A_33 = arith.cmpf olt, %slice3A_32, %select_n3A : vector<1x10000xf32>
      %slice3A_34 = vector.extract_strided_slice %max3A_25 {offsets = [2, 0], sizes = [1, 10000], strides = [1, 1]} : vector<4x10000xf32> to vector<1x10000xf32>
      %select_n3A_35 = arith.select %lt3A_33, %slice3A_34, %select_n3A : vector<1x10000xi1>, vector<1x10000xf32>
      %jit3A_36 = arith.constant 2 : i32
      %broadcast_in_dim3A_37 = vector.broadcast %jit3A_36 : i32 to vector<1x10000xi32>
      %select_n3A_38 = arith.select %lt3A_33, %broadcast_in_dim3A_37, %select_n3A_31 : vector<1x10000xi1>, vector<1x10000xi32>
      %slice3A_39 = vector.extract_strided_slice %max3A_25 {offsets = [3, 0], sizes = [1, 10000], strides = [1, 1]} : vector<4x10000xf32> to vector<1x10000xf32>
      %lt3A_40 = arith.cmpf olt, %slice3A_39, %select_n3A_35 : vector<1x10000xf32>
      %slice3A_41 = vector.extract_strided_slice %max3A_25 {offsets = [3, 0], sizes = [1, 10000], strides = [1, 1]} : vector<4x10000xf32> to vector<1x10000xf32>
      %select_n3A_42 = arith.select %lt3A_40, %slice3A_41, %select_n3A_35 : vector<1x10000xi1>, vector<1x10000xf32>
      %jit3A_43 = arith.constant 3 : i32
      %broadcast_in_dim3A_44 = vector.broadcast %jit3A_43 : i32 to vector<1x10000xi32>
      %select_n3A_45 = arith.select %lt3A_40, %broadcast_in_dim3A_44, %select_n3A_38 : vector<1x10000xi1>, vector<1x10000xi32>
      %swap3A = arith.constant 0 : index
      %swap3A_46 = arith.constant 0 : index
      %swap3A_47 = vector.load %arg3[%swap3A, %swap3A_46] : memref<1x10000xi32, #tpu.memory_space<vmem>>, vector<1x10000xi32>
      tpu.vector_store %arg3[%swap3A, %swap3A_46], %select_n3A_45 {strides = array<i32>} : memref<1x10000xi32, #tpu.memory_space<vmem>>, vector<1x10000xi32>,
      %iota3A = tpu.iota {dimensions = array<i32: 0>} : vector<4x1xi32>
      %eq3A = vector.broadcast %select_n3A_45 : vector<1x10000xi32> to vector<4x10000xi32>
      %eq3A_48 = vector.broadcast %iota3A : vector<4x1xi32> to vector<4x10000xi32>
      %eq3A_49 = arith.cmpi eq, %eq3A, %eq3A_48 : vector<4x10000xi32>
      %convert_element_type3A = arith.extui %eq3A_49 : vector<4x10000xi1> to vector<4x10000xi32>
      %convert_element_type3A_50 = arith.sitofp %convert_element_type3A : vector<4x10000xi32> to vector<4x10000xf32>
      %dot_general3A_51 = arith.constant dense<0.000000e+00> : vector<4x64xf32>
      %dot_general3A_52 = tpu.matmul %convert_element_type3A_50, %get3A_1, %dot_general3A_51 {dimension_numbers = #tpu.dot_dimension_numbers<[1], [0], [0], [1], [0, 0, 1, 1], [], []>, precision = #tpu.contract_precision<fp32>, transpose_lhs_hint = false} : vector<4x10000xf32>, vector<10000x64xf32>, vector<4x64xf32> -> vector<4x64xf32>
      %reduce_sum3A_53 = arith.constant dense<0.000000e+00> : vector<4xf32>
      %reduce_sum3A_54 = vector.multi_reduction <add>, %convert_element_type3A_50, %reduce_sum3A_53 [1] : vector<4x10000xf32> to vector<4xf32>
      %broadcast_in_dim3A_55 = vector.shape_cast %reduce_sum3A_54 : vector<4xf32> to vector<4x1xf32>
      %max3A_56 = arith.constant 1.000000e+00 : f32
      %max3A_57 = vector.broadcast %max3A_56 : f32 to vector<4x1xf32>
      %max3A_58 = arith.maximumf %broadcast_in_dim3A_55, %max3A_57 : vector<4x1xf32>
      %div3A = vector.broadcast %max3A_58 : vector<4x1xf32> to vector<4x64xf32>
      %div3A_59 = arith.divf %dot_general3A_52, %div3A : vector<4x64xf32>
      %sub3A_60 = arith.subf %div3A_59, %while3A_11 : vector<4x64xf32>
      %integer_pow3A = arith.mulf %sub3A_60, %sub3A_60 : vector<4x64xf32>
      %reduce_sum3A_61 = vector.shape_cast %integer_pow3A : vector<4x64xf32> to vector<1x4x64xf32>
      %reduce_sum3A_62 = arith.constant dense<0.000000e+00> : vector<1xf32>
      %reduce_sum3A_63 = vector.multi_reduction <add>, %reduce_sum3A_61, %reduce_sum3A_62 [1, 2] : vector<1x4x64xf32> to vector<1xf32>
      %reduce_sum3A_64 = vector.shape_cast %reduce_sum3A_63 : vector<1xf32> to vector<1x1x1xf32>
      %reduce_sum3A_65 = vector.extract %reduce_sum3A_64[0, 0, 0] : f32 from vector<1x1x1xf32>
      %sqrt3A = math.sqrt %reduce_sum3A_65 : f32
      %lt3A_66 = arith.constant 9.99999974E-5 : f32
      %lt3A_67 = arith.cmpf olt, %sqrt3A, %lt3A_66 : f32
      %select_n3A_68 = arith.select %lt3A_67, %while3A_11, %div3A_59 : vector<4x64xf32>
      %add3A_69 = arith.constant 1 : i32
      %add3A_70 = arith.addi %while3A_12, %add3A_69 : i32
      scf.yield %select_n3A_68, %add3A_70, %lt3A_67 : vector<4x64xf32>, i32, i1
    }
    return
  }
}

module attributes {stable_mosaic.version = 14 : i64} {
  func.func @_pool_body(%arg0: memref<2x10000xf32, #tpu.memory_space<vmem>>, %arg1: memref<1x10000xi32, #tpu.memory_space<vmem>>, %arg2: memref<1x1xf32, #tpu.memory_space<vmem>>, %arg3: memref<1x1xf32, #tpu.memory_space<vmem>>, %arg4: memref<16x1xf32, #tpu.memory_space<vmem>>) attributes {dimension_semantics = [], scalar_prefetch = 0 : i64, scratch_operands = 0 : i64, tpu.core_type = #tpu.core_type<tc>} {
    %get3A = arith.constant 0 : index
    %get3A_0 = arith.constant 0 : index
    %get3A_1 = vector.load %arg0[%get3A, %get3A_0] : memref<2x10000xf32, #tpu.memory_space<vmem>>, vector<1x10000xf32>
    %get3A_2 = arith.constant 1 : index
    %get3A_3 = arith.constant 0 : index
    %get3A_4 = vector.load %arg0[%get3A_2, %get3A_3] : memref<2x10000xf32, #tpu.memory_space<vmem>>, vector<1x10000xf32>
    %add3A = arith.addf %get3A_1, %get3A_4 : vector<1x10000xf32>
    %max3A = arith.constant 0.000000e+00 : f32
    %max3A_5 = vector.broadcast %max3A : f32 to vector<1x10000xf32>
    %max3A_6 = arith.maximumf %add3A, %max3A_5 : vector<1x10000xf32>
    %iota3A = tpu.iota {dimensions = array<i32: 0>} : vector<16x1xi32>
    %get3A_7 = arith.constant 0 : index
    %get3A_8 = arith.constant 0 : index
    %get3A_9 = vector.load %arg1[%get3A_7, %get3A_8] : memref<1x10000xi32, #tpu.memory_space<vmem>>, vector<1x10000xi32>
    %eq3A = vector.broadcast %get3A_9 : vector<1x10000xi32> to vector<16x10000xi32>
    %eq3A_10 = vector.broadcast %iota3A : vector<16x1xi32> to vector<16x10000xi32>
    %eq3A_11 = arith.cmpi eq, %eq3A, %eq3A_10 : vector<16x10000xi32>
    %convert_element_type3A = arith.extui %eq3A_11 : vector<16x10000xi1> to vector<16x10000xi32>
    %convert_element_type3A_12 = arith.sitofp %convert_element_type3A : vector<16x10000xi32> to vector<16x10000xf32>
    %mul3A = vector.broadcast %max3A_6 : vector<1x10000xf32> to vector<16x10000xf32>
    %mul3A_13 = arith.mulf %convert_element_type3A_12, %mul3A : vector<16x10000xf32>
    %reduce_sum3A = arith.constant dense<0.000000e+00> : vector<16xf32>
    %reduce_sum3A_14 = vector.multi_reduction <add>, %mul3A_13, %reduce_sum3A [1] : vector<16x10000xf32> to vector<16xf32>
    %broadcast_in_dim3A = vector.shape_cast %reduce_sum3A_14 : vector<16xf32> to vector<16x1xf32>
    %reduce_sum3A_15 = arith.constant dense<0.000000e+00> : vector<16xf32>
    %reduce_sum3A_16 = vector.multi_reduction <add>, %convert_element_type3A_12, %reduce_sum3A_15 [1] : vector<16x10000xf32> to vector<16xf32>
    %broadcast_in_dim3A_17 = vector.shape_cast %reduce_sum3A_16 : vector<16xf32> to vector<16x1xf32>
    %max3A_18 = arith.constant 1.000000e+00 : f32
    %max3A_19 = vector.broadcast %max3A_18 : f32 to vector<16x1xf32>
    %max3A_20 = arith.maximumf %broadcast_in_dim3A_17, %max3A_19 : vector<16x1xf32>
    %div3A = arith.divf %broadcast_in_dim3A, %max3A_20 : vector<16x1xf32>
    %get3A_21 = arith.constant 0 : index
    %get3A_22 = arith.constant 0 : index
    %get3A_23 = vector.load %arg2[%get3A_21, %get3A_22] : memref<1x1xf32, #tpu.memory_space<vmem>>, vector<1x1xf32>
    %get3A_24 = vector.extract %get3A_23[0, 0] : f32 from vector<1x1xf32>
    %mul3A_25 = vector.broadcast %get3A_24 : f32 to vector<16x1xf32>
    %mul3A_26 = arith.mulf %div3A, %mul3A_25 : vector<16x1xf32>
    %get3A_27 = arith.constant 0 : index
    %get3A_28 = arith.constant 0 : index
    %get3A_29 = vector.load %arg3[%get3A_27, %get3A_28] : memref<1x1xf32, #tpu.memory_space<vmem>>, vector<1x1xf32>
    %get3A_30 = vector.extract %get3A_29[0, 0] : f32 from vector<1x1xf32>
    %add3A_31 = vector.broadcast %get3A_30 : f32 to vector<16x1xf32>
    %add3A_32 = arith.addf %mul3A_26, %add3A_31 : vector<16x1xf32>
    %swap3A = arith.constant 0 : index
    %swap3A_33 = arith.constant 0 : index
    %swap3A_34 = vector.load %arg4[%swap3A, %swap3A_33] : memref<16x1xf32, #tpu.memory_space<vmem>>, vector<16x1xf32>
    tpu.vector_store %arg4[%swap3A, %swap3A_33], %add3A_32 {strides = array<i32>} : memref<16x1xf32, #tpu.memory_space<vmem>>, vector<16x1xf32>,
    return
  }
}

</mosaic_0001>

<sc_bundles>
// kernel: kernel.10.cloned.1.call-start
scs
__scs_entry_jumppad:
0x0: {  	(pc) =	sbr.rel $0x88, $3  }
0x1: {  	(tag) =	ssettag $0x0;
	lr =	simm.s32 $0x1  }
0x2: {  	[smem:$0x3F93] =	sst lr;
	_ =	strace $0xD0000000  }
0x3: {  	_ = 	snop  }
0x4: {  	_ = 	snop  }
0x5: {  	_ = 	snop  }
0x6: {  	_ = 	snop  }
0x7: {  	_ = 	snop  }
__scs_overlays_trampoline_lowered:
0x8: {  	[smem:$0x3FA2] =	sst s0  }
0x9: {  	[smem:$0x3FA3] =	sst s1  }
0xa: {  	[smem:$0x3FA4] =	sst s2  }
0xb: {  	[smem:$0x3FA5] =	sst s3  }
0xc: {  	[smem:$0x3FA6] =	sst s4  }
0xd: {  	[smem:$0x3FA7] =	sst s5  }
0xe: {  	[smem:$0x3FA8] =	sst s6  }
0xf: {  	[smem:$0x3FA9] =	sst s7  }
0x10: {  	[smem:$0x3FAA] =	sst s8  }
0x11: {  	[smem:$0x3FAB] =	sst s9;
	s0 =	simm.s32 @!p0 $0x0  }
0x12: {  	s1 =	sld [smem:$0x3F91];
	s0 =	simm.s32 @p0 $0x1  }
0x13: {  	[smem:$0x3FAC] =	sst s0;
	s0 =	simm.s32 @!p1 $0x0  }
0x14: {  	s2 =	sld [smem:$0x3F90];
	s0 =	simm.s32 @p1 $0x1  }
0x15: {  	[smem:$0x3FAD] =	sst s0;
	s0 =	simm.s32 @!p2 $0x0  }
0x16: {  	s3 =	sld [smem:$0x3FDB];
	s0 =	simm.s32 @p2 $0x1  }
0x17: {  	s4 =	simm.s32 $0x1BF5;
	[smem:$0x3FAF] =	sst s0  }
0x18: {  	s0 =	sld [smem:$0x3F92];
	_ =	swait.ge [sflag:s4], $0x0  }
0x19: {  	s7 =	sld [smem:$0x3F93]  }
0x1a: {  	s8 =	sadd.s32 $0xFFFFE003, lr  }
0x1b: {  	s9 =	sadd.s32 $0xFFFFFEF7, lr;
	s5 =	simm.s32 $0xFFFFFFFF;
	p2 =	slt.u32 s8, $0xFFFFF086  }
0x1c: {  	p1 =	slt.u32 s9, $0xF7A;
	s5 =	simm.s32 @!p2 $0x0  }
0x1d: {  	s5 =	simm.s32 @p1 $0x1;
	p0 =	seq.s32 s7, s2  }
0x1e: {  	s7 =	smul.u32 @!p0 $0xF7A, s2;
	p2 =	seq.s32 @!p0 s5, $0x0  }
0x1f: {  	s9 =	smul.u32 $0xF7A, s1;
	s8 =	simm.s32 @!p0 $0x1BF5;
	p2 =	por !p2, p0  }
0x20: {  	[sflag:s8] =	ssyncset.s32 @!p0 $0xFFFFF086;
	s6 =	sadd.s32 @!p0 s3, s7;
	s7 =	simm.s32 @!p0 $0x108  }
0x21: {  	s3 =	sadd.s32 s3, s9;
	s6 =	sadd.s32 @!p0 $0x88, s6;
	s7 =	simm.s32 @p2 $0x1082  }
0x22: {  	[simem:s7], [sflag:s8] =	dma.local @!p0 [hbm:s6], $0xF7A  }
0x23: {  	s9 =	sor.u32 $0xD0000000, s2;
	s6 =	simm.s32 $0x108;
	_ =	swait.ge @!p0 [sflag:s8], $0x0  }
0x24: {  	s3 =	sadd.s32 $0x88, s3;
	s6 =	simm.s32 @!p1 $0x1082;
	[sflag:s4] =	ssyncset.s32 $0xFFFFF086  }
0x25: {  	[simem:s6], [sflag:s4] =	dma.local [hbm:s3], $0xF7A  }
0x26: {  	[smem:$0x3F93] =	sst s1;
	(tag) =	ssettag s2;
	_ =	strace s9  }
0x27: {  	s1 =	sld [smem:$0x3FA3]  }
0x28: {  	s2 =	sld [smem:$0x3FA4]  }
0x29: {  	s4 =	sld [smem:$0x3FA6]  }
0x2a: {  	p0 =	seq.s32 s5, $0x0;
	s5 =	sld [smem:$0x3FA7]  }
0x2b: {  	s6 =	sld [smem:$0x3FA8]  }
0x2c: {  	s7 =	sld [smem:$0x3FA9]  }
0x2d: {  	s3 =	simm.s32 $0x108;
	s8 =	sld [smem:$0x3FAA]  }
0x2e: {  	s3 =	simm.s32 @!p0 $0x1082;
	s9 =	sld [smem:$0x3FAB]  }
0x2f: {  	lr =	sadd.s32 s0, s3;
	s0 =	sld [smem:$0x3FA2]  }
0x30: {  	s3 =	sld [smem:$0x3FA5]  }
0x31: {  	[smem:$0x3FAE] =	sst s10  }
0x32: {  	s10 =	sld [smem:$0x3FAC];
	_ =	sdelay $0x3  }
0x33: {  	p0 =	seq.s32 s10, $0x1;
	s10 =	sld [smem:$0x3FAE];
	_ =	sdelay $0x3  }
0x34: {  	[smem:$0x3FAE] =	sst s10  }
0x35: {  	s10 =	sld [smem:$0x3FAD];
	_ =	sdelay $0x3  }
0x36: {  	p1 =	seq.s32 s10, $0x1;
	s10 =	sld [smem:$0x3FAE];
	_ =	sdelay $0x3  }
0x37: {  	[smem:$0x3FAE] =	sst s10  }
0x38: {  	s10 =	sld [smem:$0x3FAF]  }
0x39: {  	_ = 	snop;
	(pc) =	sbr.ind lr, $3  }
0x3a: {  	_ = 	snop  }
0x3b: {  	_ = 	snop  }
0x3c: {  	p2 =	seq.s32 s10, $0x1;
	s10 =	sld [smem:$0x3FAE]  }
0x3d: {  	_ =	shalt  }
0x3e: {  	_ =	shalt  }
0x3f: {  	_ =	shalt  }
0x40: {  	_ =	shalt  }
0x41: {  	_ =	shalt  }
0x42: {  	_ =	shalt  }
0x43: {  	_ =	shalt  }
0x44: {  	_ =	shalt  }
0x45: {  	_ =	shalt  }
0x46: {  	_ =	shalt  }
0x47: {  	_ =	shalt  }
0x48: {  	_ =	shalt  }
0x49: {  	_ =	shalt  }
0x4a: {  	_ =	shalt  }
0x4b: {  	_ =	shalt  }
0x4c: {  	_ =	shalt  }
0x4d: {  	_ =	shalt  }
0x4e: {  	_ =	shalt  }
0x4f: {  	_ =	shalt  }
0x50: {  	_ =	shalt  }
0x51: {  	_ =	shalt  }
0x52: {  	_ =	shalt  }
0x53: {  	_ =	shalt  }
0x54: {  	_ =	shalt  }
0x55: {  	_ =	shalt  }
0x56: {  	_ =	shalt  }
0x57: {  	_ =	shalt  }
0x58: {  	_ =	shalt  }
0x59: {  	_ =	shalt  }
0x5a: {  	_ =	shalt  }
0x5b: {  	_ =	shalt  }
0x5c: {  	_ =	shalt  }
0x5d: {  	_ =	shalt  }
0x5e: {  	_ =	shalt  }
0x5f: {  	_ =	shalt  }
0x60: {  	_ =	shalt  }
0x61: {  	_ =	shalt  }
0x62: {  	_ =	shalt  }
0x63: {  	_ =	shalt  }
0x64: {  	_ =	shalt  }
0x65: {  	_ =	shalt  }
0x66: {  	_ =	shalt  }
0x67: {  	_ =	shalt  }
0x68: {  	_ =	shalt  }
0x69: {  	_ =	shalt  }
0x6a: {  	_ =	shalt  }
0x6b: {  	_ =	shalt  }
0x6c: {  	_ =	shalt  }
0x6d: {  	_ =	shalt  }
0x6e: {  	_ =	shalt  }
0x6f: {  	_ =	shalt  }
0x70: {  	_ =	shalt  }
0x71: {  	_ =	shalt  }
0x72: {  	_ =	shalt  }
0x73: {  	_ =	shalt  }
0x74: {  	_ =	shalt  }
0x75: {  	_ =	shalt  }
0x76: {  	_ =	shalt  }
0x77: {  	_ =	shalt  }
0x78: {  	_ =	shalt  }
0x79: {  	_ =	shalt  }
0x7a: {  	_ =	shalt  }
0x7b: {  	_ =	shalt  }
0x7c: {  	_ =	shalt  }
0x7d: {  	_ =	shalt  }
0x7e: {  	_ =	shalt  }
0x7f: {  	_ =	shalt  }
0x80: {  	_ =	shalt  }
0x81: {  	_ =	shalt  }
0x82: {  	_ =	shalt  }
0x83: {  	_ =	shalt  }
0x84: {  	_ =	shalt  }
0x85: {  	_ =	shalt  }
0x86: {  	_ =	shalt  }
0x87: {  	_ =	shalt  }
.Lfunc_end0:
.L_simem_size_0:
called_computation.2_lowered:
.L_overlay_start_0:
0x88: {  	s2 =	sld [smem:$0x3FD9]  }
0x89: {  	s3 =	sld [smem:$0x3FFE];
	_ =	sdelay $0x1  }
0x8a: {  	s1 =	srdreg.scid  }
0x8b: {  	s0 =	sand.u32 $0x1, s1  }
0x8c: {  	s16 =	sshll.u32 s0, $0xA;
	s2 =	sadd.s32 s3, s2  }
0x8d: {  	s2 =	sadd.s32 s2, s16  }
0x8e: {  	[smem:$0x3FBA] =	sst s2  }
0x8f: {  	_ = 	snop  }
0x90: {  	(tm) =	ssettm $0x1  }
0x91: {  	s17 =	sld [smem:$0x3FFB];
	_ =	sdelay $0x3  }
0x92: {  	_ =	strace s17  }
0x93: {  	s2 =	sld [smem:$0x3FFC];
	_ =	sdelay $0x3  }
0x94: {  	_ =	strace s2  }
0x95: {  	s2 =	sld [smem:$0x3FFD];
	_ =	sdelay $0x3  }
0x96: {  	_ =	strace s2  }
0x97: {  	_ =	strace $0x8FFFFFFF  }
0x98: {  	s18 =	sld [smem:$0x3FDB];
	_ =	sdelay $0x1  }
0x99: {  	s19 =	simm.s32 $_scs_section_size  }
0x9a: {  	s4 =	simm.s32 $_size__tile_overlayer_lowered;
	s5 =	simm.s32 $_tile_overlayer_lowered  }
0x9b: {  	s22 =	simm.s32 $0x1BFF;
	s21 =	sshll.u32 s5, $0x1;
	s2 =	sadd.s32 s19, s18  }
0x9c: {  	s6 =	simm.s32 $0x0;
	s20 =	sshll.u32 s4, $0x1;
	s4 =	sadd.s32 s21, s2  }
0x9d: {  	[timem:s6], [sflag:s22] =	dma.local [hbm:s4], s20  }
0x9e: {  	_ =	swait.ge [sflag:s22], s20  }
0x9f: {  	s3 =	ssub.s32 $0x0, s20;
	[sflag:s22] =	ssyncset.done $0x0  }
0xa0: {  	[sflag:s22] =	ssyncadd.s32 s3;
	_ =	sdelay $0x1  }
0xa1: {  	s23 =	simm.s32 $0x1B8B  }
0xa2: {  	_ =	swait.ge [sflag:s23], $0x1  }
0xa3: {  	[sflag:s23] =	ssyncset.done $0x0  }
0xa4: {  	s25 =	simm.s32 $0x1B8E;
	s24 =	sld [smem:$0x3FFE];
	[sflag:s23] =	ssyncadd.s32 $0xFFFFFFFF  }
0xa5: {  	s26 =	simm.s32 $execute0_lowered;
	[smem:$0x3FD2] =	sst s25  }
0xa6: {  	s4 =	sshll.u32 s26, $0x1;
	_ =	strace $0x8000004C;
	[dreg:$0x1] =	wrdreg $0xFFFFFFFF  }
0xa7: {  	s28 =	simm.s32 $_size_execute0_lowered;
	s2 =	sadd.s32 s2, s4;
	[dreg:$0x0] =	wrdreg $0x0  }
0xa8: {  	s4 =	sshll.u32 s28, $0x1;
	[dreg:$0x2] =	wrdreg s2  }
0xa9: {  	[dreg:$0x3] =	wrdreg s4  }
0xaa: {  	[dreg:$0x4] =	wrdreg $0xC0  }
0xab: {  	_ =	task [dreg:s6], $0x5FFFF  }
0xac: {  	[dreg:$0x1] =	wrdreg $0xFFFFFFFF  }
0xad: {  	[dreg:$0x0] =	wrdreg $0x60  }
0xae: {  	[dreg:$0x2] =	wrdreg s24  }
0xaf: {  	[dreg:$0x3] =	wrdreg $0x18B000  }
0xb0: {  	[dreg:$0x4] =	wrdreg $0x18D780  }
0xb1: {  	[dreg:$0x5] =	wrdreg $0x18FF00  }
0xb2: {  	[dreg:$0x6] =	wrdreg $0x9  }
0xb3: {  	_ =	task.clear_ibuf [dreg:s6], $0x7FFFF;
	_ =	strace $0x9000004C  }
0xb4: {  	s29 =	simm.s32 $0x9;
	_ =	strace $0x8000004E  }
0xb5: {  	_ =	swait.ge [sflag:s29], $0x1  }
0xb6: {  	[sflag:s29] =	ssyncadd.s32 $0xFFFFFFFF  }
0xb7: {  	_ =	strace $0x9000004E  }
0xb8: {  	_ =	sfence  }
0xb9: {  	s30 =	sld [smem:$0x0];
	_ =	sdelay $0x2  }
0xba: {  	s31 =	sshll.u32 s1, $0xD;
	s1 =	sshrl.u32 s1, $0x2  }
0xbb: {  	s3 =	sand.u32 $0x4000, s31;
	s1 =	sadd.s32 s1, s30  }
0xbc: {  	s0 =	sor.u32 s3, s0;
	s1 =	sshll.u32 s1, $0x11  }
0xbd: {  	s0 =	sor.u32 s1, s0  }
0xbe: {  	s0 =	sadd.s32 $0x8F2B, s0  }
0xbf: {  	[sflag:s0] =	ssyncadd.remote.s32 $0x1  }
0xc0: {  	_ =	sfence.sel $0xFFFF  }
0xc1: {  	[dreg:$0x0] =	wrdreg $0xFFFFFFFF;
	(pc) =	sbr.abs _section_cstart, $3  }
0xc2: {  	[dreg:$0x1] =	wrdreg $0xFFFFFFFF  }
0xc3: {  	_ =	task.clear_ibuf [dreg:s6], $0x2FFFF;
	_ =	strace $0x9FFFFFFF  }
0xc4: {  	(tm) =	ssettm $0x7FFFFFFF  }
0xc5: {  	_ =	shalt  }
tec
execute0_lowered:
.L_overlay_start_1:
0x0: {  	(tag) =	ssettag $0x1  }
0x1: {  	s0 =	srdreg.scid  }
0x2: {  	s1 =	stileid.u32;
	s11 =	rddreg [dreg:$0x0];
	s15 =	simm.s32 $0x80  }
0x3: {  	s16 =	simm.s32 $0x400;
	s24 =	simm.s32 $0x2710;
	s28 =	simm.s32 $0x11480  }
0x4: {  	s29 =	simm.s32 $0x13C00;
	s30 =	simm.s32 $0x16380;
	s31 =	simm.s32 $0x0  }
0x5: {  	s7 =	sand.u32 $0x1, s0;
	s2 =	sshll.u32 s1, $0x1;
	s0 =	rddreg [dreg:$0x1]  }
0x6: {  	s3 =	sshrl.u32 s1, $0x2;
	s18 =	sadd.s32 $0x95600, s11;
	s19 =	sadd.s32 $0x9F400, s11  }
0x7: {  	s21 =	sadd.s32 $0xA9200, s11;
	s5 =	sor.u32 s7, s2;
	s2 =	rddreg [dreg:$0x2]  }
0x8: {  	p0 =	sne.s32 s1, $0x0;
	s6 =	smul.u32 $0x13C00, s3;
	s3 =	rddreg [dreg:$0x3]  }
0x9: {  	s9 =	ssub.s32 $0x2, s7;
	s26 =	sshll.u32 s7, $0x4;
	s7 =	sadd.s32 $0x14C00, s11  }
0xa: {  	s4 =	sshll.u32 s5, $0x7;
	s25 =	smul.u32 $0x4E2, s5;
	s5 =	sadd.s32 $0x14600, s11  }
0xb: {  	s13 =	sshrl.u32 s9, $0x1;
	s14 =	sadd.s32 s26, s11;
	s26 =	simm.s32 $0x1  }
0xc: {  	s8 =	sand.u32 $0x380, s4;
	s4 =	simm.s32 $0x0;
	s13 =	ssub.s32 s9, s13  }
0xd: {  	s6 =	sor.u32 s6, s8;
	[smem:$0x7FF] =	sst s4;
	s12 =	sadd.s32 s25, s11  }
0xe: {  	s25 =	simm.s32 $0xED00;
	s17 =	sshrl.u32 s6, $0x3;
	_ =	strace $0x8000004D  }
0xf: {  	s6 =	sadd.s32 $0x14000, s11;
	s8 =	sadd.s32 $0xA200, s12;
	s9 =	sadd.s32 $0x400, s12  }
0x10: {  	s12 =	smax.u32 s13, $0x1;
	s13 =	simm.s32 $0x2;
	s10 =	sadd.s32 s17, s11  }
0x11: {  	s11 =	sadd.s32 $0x15200, s14;
	s14 =	simm.s32 $0x2780;
	s18 =	sadd.s32 s17, s18  }
0x12: {  	s20 =	sadd.s32 s17, s19;
	s22 =	sadd.s32 s17, s21;
	s10 =	sadd.s32 $0x8B800, s10  }
.LBB2_1:
0x13: {  	[tilespmem:s4], [sflag:$0x2] =	stream.linear.gather [hbm4b:s8+s4], $0x2710, $0x38;
	[tilespmem:$0x19268] =	vst v63  }
0x14: {  	_ =	swait.ge [sflag:s13], $0x2710  }
0x15: {  	[sflag:s13] =	ssyncset.done $0x0  }
0x16: {  	[sflag:s13] =	ssyncadd.s32 $0xFFFFD8F0  }
0x17: {  	[tilespmem:s14], [sflag:$0x2] =	stream.linear.gather [hbm4b:s9+s4], $0x2710, $0x38;
	[tilespmem:$0x19268] =	vst v63  }
0x18: {  	_ =	swait.ge [sflag:s13], $0x2710  }
0x19: {  	[sflag:s13] =	ssyncset.done $0x0  }
0x1a: {  	s1 =	simm.s32 $0x4F00;
	[sflag:s13] =	ssyncadd.s32 $0xFFFFD8F0  }
0x1b: {  	[tilespmem:s1], [sflag:$0x2] =	stream.strided.gather [hbm4b:s10+s15], $0x2780, s16, s15, $0x38;
	[tilespmem:$0x19268] =	vst v63  }
0x1c: {  	_ =	swait.ge [sflag:s13], $0x2780  }
0x1d: {  	[sflag:s13] =	ssyncset.done $0x0  }
0x1e: {  	s19 =	simm.s32 $0x7680;
	[sflag:s13] =	ssyncadd.s32 $0xFFFFD880  }
0x1f: {  	[tilespmem:s19], [sflag:$0x2] =	stream.strided.gather [hbm4b:s18+s15], $0x2780, s16, s15, $0x38;
	[tilespmem:$0x19268] =	vst v63  }
0x20: {  	_ =	swait.ge [sflag:s13], $0x2780  }
0x21: {  	[sflag:s13] =	ssyncset.done $0x0  }
0x22: {  	s21 =	simm.s32 $0x9E00;
	[sflag:s13] =	ssyncadd.s32 $0xFFFFD880  }
0x23: {  	[tilespmem:s21], [sflag:$0x2] =	stream.strided.gather [hbm4b:s20+s15], $0x2780, s16, s15, $0x38;
	[tilespmem:$0x19268] =	vst v63  }
0x24: {  	_ =	swait.ge [sflag:s13], $0x2780  }
0x25: {  	[sflag:s13] =	ssyncset.done $0x0  }
0x26: {  	s23 =	simm.s32 $0xC580;
	[sflag:s13] =	ssyncadd.s32 $0xFFFFD880  }
0x27: {  	[tilespmem:s23], [sflag:$0x2] =	stream.strided.gather [hbm4b:s22+s15], $0x2780, s16, s15, $0x38;
	[tilespmem:$0x19268] =	vst v63  }
0x28: {  	_ =	swait.ge [sflag:s13], $0x2780  }
0x29: {  	s17 =	simm.s32 @!p0 $0x1C02;
	[sflag:s13] =	ssyncset.done $0x0  }
0x2a: {  	s1 =	sshrl.u32 @!p0 s0, $0x3;
	s19 =	simm.s32 @!p0 $0x2;
	[sflag:s13] =	ssyncadd.s32 $0xFFFFD880  }
0x2b: {  	[spmem:s1], [sflag:s17] =	dma.local @!p0 [hbm:s7], $0x4F0  }
0x2c: {  	_ =	swait.ge @!p0 [sflag:s19], $0x4F0  }
0x2d: {  	[sflag:s19] =	ssyncset.done @!p0 $0x0  }
0x2e: {  	s21 =	sshrl.u32 @!p0 s2, $0x3;
	[sflag:s19] =	ssyncadd.s32 @!p0 $0xFFFFFB10  }
0x2f: {  	[spmem:s21], [sflag:s17] =	dma.local @!p0 [hbm:s5], $0x4F0  }
0x30: {  	_ =	swait.ge @!p0 [sflag:s19], $0x4F0  }
0x31: {  	[sflag:s19] =	ssyncset.done @!p0 $0x0  }
0x32: {  	s21 =	sshrl.u32 @!p0 s3, $0x3;
	[sflag:s19] =	ssyncadd.s32 @!p0 $0xFFFFFB10  }
0x33: {  	[spmem:s21], [sflag:s17] =	dma.local @!p0 [hbm:s6], $0x4F0  }
0x34: {  	_ =	swait.ge @!p0 [sflag:s19], $0x4F0  }
0x35: {  	[sflag:s19] =	ssyncset.done @!p0 $0x0  }
0x36: {  	[sflag:s19] =	ssyncadd.s32 @!p0 $0xFFFFFB10  }
0x37: {  	[bflag:$0x0] =	sbarrier.arrive $0xFFFF  }
0x38: {  	[tilespmem:s25], [sflag:$0x1] =	stream.indirect.gather [spmem:s2], $0x1, s4, s24, $0xb8;
	[tilespmem:$0x19268] =	vst v63  }
0x39: {  	_ =	swait.ge [sflag:s26], $0x2710  }
0x3a: {  	[sflag:s26] =	ssyncset.done $0x0  }
0x3b: {  	[sflag:s26] =	ssyncadd.s32 $0xFFFFD8F0  }
0x3c: {  	[tilespmem:s28], [sflag:$0x1] =	stream.indirect.gather [spmem:s2], $0x1, s14, s24, $0xb8;
	[tilespmem:$0x19268] =	vst v63  }
0x3d: {  	_ =	swait.ge [sflag:s26], $0x2710  }
0x3e: {  	[sflag:s26] =	ssyncset.done $0x0  }
0x3f: {  	[sflag:s26] =	ssyncadd.s32 $0xFFFFD8F0  }
0x40: {  	[tilespmem:s29], [sflag:$0x1] =	stream.indirect.gather [spmem:s3], $0x1, s4, s24, $0xb8;
	[tilespmem:$0x19268] =	vst v63  }
0x41: {  	_ =	swait.ge [sflag:s26], $0x2710  }
0x42: {  	[sflag:s26] =	ssyncset.done $0x0  }
0x43: {  	s19 =	simm.s32 $0x0;
	[sflag:s26] =	ssyncadd.s32 $0xFFFFD8F0  }
0x44: {  	v3 =	vld [tilespmem:s19+$0x13C00];
	_ =	sdelay $0x1  }
0x45: {  	v6 =	vld [tilespmem:s19+$0x11480]  }
0x46: {  	v2 =	vld [tilespmem:s19+$0x4F00]  }
0x47: {  	v7 =	vld [tilespmem:s19+$0xED00]  }
0x48: {  	s17 =	simm.s32 $0x10;
	v5 =	vld [tilespmem:s19+$0x7680];
	(erf) = vrcp.f32 v3  }
0x49: {  	v8 =	vld [tilespmem:s17+$0x13C00]  }
0x4a: {  	v4 =	vld [tilespmem:s19+$0x9E00]  }
0x4b: {  	v9 =	vld [tilespmem:s19+$0xC580]  }
0x4c: {  	v0 =	vld [tilespmem:s17+$0x11480]  }
0x4d: {  	v1 =	vld [tilespmem:s17+$0x9E00];
	vm0 =	veq.s32 v7, $0x1  }
0x4e: {  	v3 =	vld [tilespmem:s17+$0xED00];
	v5 =	vsel vm0, v5, v2;
	vm0 =	veq.s32 v7, $0x2;
	(erf) = vrcp.f32 v8  }
0x4f: {  	v2 =	vld [tilespmem:s17+$0x4F00];
	v5 =	vsel vm0, v4, v5;
	vm0 =	veq.s32 v7, $0x3  }
0x50: {  	s23 =	simm.s32 $0xC0;
	s21 =	simm.s32 $0x20;
	v4 =	vld [tilespmem:s17+$0x7680];
	v5 =	vsel vm0, v9, v5;
	vm0 =	veq.s32 v7, v6  }
.LBB2_2:
0x51: {  	p1 =	sne.s32 s23, $0x9C00;
	v6 =	vld [tilespmem:s21+$0x13C00];
	v5 =	vnsel vm0, $0x0, v5;
	v7 =	vpop (erf);
	v8 =	vmov v0  }
0x52: {  	v9 =	vld [tilespmem:s17+$0xC580];
	v5 =	vmul.f32 v5, v7;
	v7 =	vmov v1  }
.Ltmp0:
0x53: {  	v0 =	vld [tilespmem:s21+$0x11480];
	(pc) =	sbr.rel @p1 .LBB2_2-.Ltmp0, $4  }
0x54: {  	v1 =	vld [tilespmem:s21+$0x9E00];
	vm0 =	veq.s32 v3, $0x1;
	[tilespmem:s19+$0x16380] =	vst v5;
	v10 =	vmov v3;
	s19 =	smov.u32 s17;
	s17 =	smov.u32 s21  }
0x55: {  	v4 =	vsel vm0, v4, v2;
	v2 =	vld [tilespmem:s17+$0x4F00];
	vm0 =	veq.s32 v10, $0x2  }
0x56: {  	v3 =	vld [tilespmem:s17+$0xED00];
	(erf) = vrcp.f32 v6;
	v5 =	vsel vm0, v7, v4;
	vm0 =	veq.s32 v10, $0x3  }
0x57: {  	s21 =	sshra.s32 s23, $0x2;
	s23 =	sadd.s32 $0x40, s23;
	v4 =	vld [tilespmem:s17+$0x7680];
	v5 =	vsel vm0, v9, v5;
	vm0 =	veq.s32 v10, v8  }
0x58: {  	v6 =	vld [tilespmem:s21+$0x13C00];
	v5 =	vnsel vm0, $0x0, v5;
	v7 =	vpop (erf)  }
0x59: {  	v8 =	vld [tilespmem:s17+$0xC580];
	v5 =	vmul.f32 v5, v7  }
0x5a: {  	v58 =	vld [tilespmem:s21+$0x11480]  }
0x5b: {  	v9 =	vld [tilespmem:s21+$0x9E00];
	[tilespmem:s19+$0x16380] =	vst v5  }
0x5c: {  	v5 =	vld [tilespmem:s21+$0x4F00]  }
0x5d: {  	v10 =	vld [tilespmem:s21+$0xED00];
	(erf) = vrcp.f32 v6  }
0x5e: {  	v59 =	vld [tilespmem:s21+$0x7680];
	_ =	sdelay $0x1  }
0x5f: {  	v11 =	vld [tilespmem:s21+$0xC580]  }
0x60: {  	vm9 =	veq.s32 v3, $0x1;
	vm10 =	veq.s32 v3, $0x2;
	vm11 =	veq.s32 v3, $0x3  }
0x61: {  	vm13 =	veq.s32 v3, v0;
	v2 =	vsel vm9, v4, v2;
	vm1 =	veq.s32 v10, $0x1  }
0x62: {  	v1 =	vsel vm10, v1, v2;
	vm12 =	veq.s32 v10, $0x2;
	v60 =	vsel vm1, v59, v5  }
0x63: {  	v1 =	vsel vm11, v8, v1;
	vm14 =	veq.s32 v10, $0x3;
	v61 =	vsel vm12, v9, v60  }
0x64: {  	v1 =	vnsel vm13, $0x0, v1;
	v62 =	vpop (erf);
	vm15 =	veq.s32 v10, v58;
	v0 =	vsel vm14, v11, v61  }
0x65: {  	v1 =	vmul.f32 v1, v62;
	v0 =	vnsel vm15, $0x0, v0;
	v63 =	vpop (erf)  }
0x66: {  	v0 =	vmul.f32 v0, v63  }
0x67: {  	[tilespmem:s17+$0x16380] =	vst v1  }
0x68: {  	[tilespmem:s21+$0x16380] =	vst v0  }
0x69: {  	[bflag:$0x0] =	sbarrier.arrive $0xFFFF  }
0x6a: {  	[spmem:s0] =	stream.indirect.scatter.add.f32 [tilespmem:s30], [sflag:$0x2], $0x1, s14, s24, $0xb8;
	[tilespmem:$0x19268] =	vst v63  }
0x6b: {  	_ =	swait.ge [sflag:s13], $0x2710  }
0x6c: {  	s23 =	simm.s32 @!p0 $0x1C02;
	s31 =	sadd.s32 $0x1, s31;
	[sflag:s13] =	ssyncset.done $0x0  }
0x6d: {  	p1 =	sne.s32 s31, s12;
	s19 =	simm.s32 @!p0 $0x20;
	[sflag:s13] =	ssyncadd.s32 $0xFFFFD8F0  }
0x6e: {  	s17 =	simm.s32 @!p0 $0x1;
	s21 =	simm.s32 @!p0 $0x10;
	[bflag:$0x0] =	sbarrier.arrive $0xFFFF  }
0x6f: {  	[hbm:s11@s19], [sflag:s23] =	dma.strided @!p0 [spmem:s1@s21], $0x4F0, s17, $0x10   }
.Ltmp1:
0x70: {  	_ = 	snop;
	(pc) =	sbr.rel @p1 .LBB2_1-.Ltmp1, $4  }
0x71: {  	s1 =	simm.s32 @!p0 $0x2  }
0x72: {  	_ =	swait.ge @!p0 [sflag:s1], $0x4F0  }
0x73: {  	[sflag:s1] =	ssyncset.done @!p0 $0x0  }
0x74: {  	[sflag:s1] =	ssyncadd.s32 @!p0 $0xFFFFFB10  }
0x75: {  	_ =	sfence.sel $0x180000  }
0x76: {  	[bflag:$0x0] =	sbarrier.arrive $0xFFFF  }
0x77: {  	_ =	strace $0x9000004D  }
0x78: {  	[bflag:$0x2] =	sbarrier.arrive $0xFFFF  }
0x79: {  	s0 =	rddreg [dreg:$0x4]  }
0x7a: {  	s0 =	sadd.s32 @!p0 $0x100000, s0  }
0x7b: {  	[sflag:s0] =	ssyncadd.tile.s32 @!p0 $0x1;
	_ =	shalt  }
.Lfunc_end2:
_tile_overlayer_lowered:
.L_overlay_start_2:
0x7c: {  	(tag) =	ssettag $0x2  }
0x7d: {  	s0 =	rddreg [dreg:$0x0];
	s2 =	stileid.u32  }
0x7e: {  	s1 =	rddreg [dreg:$0x1];
	p0 =	sne.s32 s2, $0x0  }
0x7f: {  	s3 =	rddreg [dreg:$0x2];
	[bflag:$0x3] =	sbarrier.arrive $0xFFFF;
	s2 =	simm.s32 @!p0 $0x1C02  }
0x80: {  	[timem:s3], [sflag:s2] =	dma.local @!p0 [hbm:s0], s1  }
0x81: {  	s0 =	simm.s32 @!p0 $0x2  }
0x82: {  	_ =	swait.ge @!p0 [sflag:s0], s1  }
0x83: {  	s1 =	ssub.s32 @!p0 $0x0, s1;
	[sflag:s0] =	ssyncset.done @!p0 $0x0  }
0x84: {  	[sflag:s0] =	ssyncadd.s32 @!p0 s1  }
0x85: {  	[bflag:$0x3] =	sbarrier.arrive $0xFFFF  }
0x86: {  	_ =	shalt  }

// kernel: kernel.7.cloned.1.call-start
scs
__scs_entry_jumppad:
0x0: {  	(pc) =	sbr.rel $0x88, $3  }
0x1: {  	(tag) =	ssettag $0x0;
	lr =	simm.s32 $0x1  }
0x2: {  	[smem:$0x3F93] =	sst lr;
	_ =	strace $0xD0000000  }
0x3: {  	_ = 	snop  }
0x4: {  	_ = 	snop  }
0x5: {  	_ = 	snop  }
0x6: {  	_ = 	snop  }
0x7: {  	_ = 	snop  }
__scs_overlays_trampoline_lowered:
0x8: {  	[smem:$0x3FA2] =	sst s0  }
0x9: {  	[smem:$0x3FA3] =	sst s1  }
0xa: {  	[smem:$0x3FA4] =	sst s2  }
0xb: {  	[smem:$0x3FA5] =	sst s3  }
0xc: {  	[smem:$0x3FA6] =	sst s4  }
0xd: {  	[smem:$0x3FA7] =	sst s5  }
0xe: {  	[smem:$0x3FA8] =	sst s6  }
0xf: {  	[smem:$0x3FA9] =	sst s7  }
0x10: {  	[smem:$0x3FAA] =	sst s8  }
0x11: {  	[smem:$0x3FAB] =	sst s9;
	s0 =	simm.s32 @!p0 $0x0  }
0x12: {  	s1 =	sld [smem:$0x3F91];
	s0 =	simm.s32 @p0 $0x1  }
0x13: {  	[smem:$0x3FAC] =	sst s0;
	s0 =	simm.s32 @!p1 $0x0  }
0x14: {  	s2 =	sld [smem:$0x3F90];
	s0 =	simm.s32 @p1 $0x1  }
0x15: {  	[smem:$0x3FAD] =	sst s0;
	s0 =	simm.s32 @!p2 $0x0  }
0x16: {  	s3 =	sld [smem:$0x3FDB];
	s0 =	simm.s32 @p2 $0x1  }
0x17: {  	s4 =	simm.s32 $0x1BF5;
	[smem:$0x3FAF] =	sst s0  }
0x18: {  	s0 =	sld [smem:$0x3F92];
	_ =	swait.ge [sflag:s4], $0x0  }
0x19: {  	s7 =	sld [smem:$0x3F93]  }
0x1a: {  	s8 =	sadd.s32 $0xFFFFE003, lr  }
0x1b: {  	s9 =	sadd.s32 $0xFFFFFEF7, lr;
	s5 =	simm.s32 $0xFFFFFFFF;
	p2 =	slt.u32 s8, $0xFFFFF086  }
0x1c: {  	p1 =	slt.u32 s9, $0xF7A;
	s5 =	simm.s32 @!p2 $0x0  }
0x1d: {  	s5 =	simm.s32 @p1 $0x1;
	p0 =	seq.s32 s7, s2  }
0x1e: {  	s7 =	smul.u32 @!p0 $0xF7A, s2;
	p2 =	seq.s32 @!p0 s5, $0x0  }
0x1f: {  	s9 =	smul.u32 $0xF7A, s1;
	s8 =	simm.s32 @!p0 $0x1BF5;
	p2 =	por !p2, p0  }
0x20: {  	[sflag:s8] =	ssyncset.s32 @!p0 $0xFFFFF086;
	s6 =	sadd.s32 @!p0 s3, s7;
	s7 =	simm.s32 @!p0 $0x108  }
0x21: {  	s3 =	sadd.s32 s3, s9;
	s6 =	sadd.s32 @!p0 $0x88, s6;
	s7 =	simm.s32 @p2 $0x1082  }
0x22: {  	[simem:s7], [sflag:s8] =	dma.local @!p0 [hbm:s6], $0xF7A  }
0x23: {  	s9 =	sor.u32 $0xD0000000, s2;
	s6 =	simm.s32 $0x108;
	_ =	swait.ge @!p0 [sflag:s8], $0x0  }
0x24: {  	s3 =	sadd.s32 $0x88, s3;
	s6 =	simm.s32 @!p1 $0x1082;
	[sflag:s4] =	ssyncset.s32 $0xFFFFF086  }
0x25: {  	[simem:s6], [sflag:s4] =	dma.local [hbm:s3], $0xF7A  }
0x26: {  	[smem:$0x3F93] =	sst s1;
	(tag) =	ssettag s2;
	_ =	strace s9  }
0x27: {  	s1 =	sld [smem:$0x3FA3]  }
0x28: {  	s2 =	sld [smem:$0x3FA4]  }
0x29: {  	s4 =	sld [smem:$0x3FA6]  }
0x2a: {  	p0 =	seq.s32 s5, $0x0;
	s5 =	sld [smem:$0x3FA7]  }
0x2b: {  	s6 =	sld [smem:$0x3FA8]  }
0x2c: {  	s7 =	sld [smem:$0x3FA9]  }
0x2d: {  	s3 =	simm.s32 $0x108;
	s8 =	sld [smem:$0x3FAA]  }
0x2e: {  	s3 =	simm.s32 @!p0 $0x1082;
	s9 =	sld [smem:$0x3FAB]  }
0x2f: {  	lr =	sadd.s32 s0, s3;
	s0 =	sld [smem:$0x3FA2]  }
0x30: {  	s3 =	sld [smem:$0x3FA5]  }
0x31: {  	[smem:$0x3FAE] =	sst s10  }
0x32: {  	s10 =	sld [smem:$0x3FAC];
	_ =	sdelay $0x3  }
0x33: {  	p0 =	seq.s32 s10, $0x1;
	s10 =	sld [smem:$0x3FAE];
	_ =	sdelay $0x3  }
0x34: {  	[smem:$0x3FAE] =	sst s10  }
0x35: {  	s10 =	sld [smem:$0x3FAD];
	_ =	sdelay $0x3  }
0x36: {  	p1 =	seq.s32 s10, $0x1;
	s10 =	sld [smem:$0x3FAE];
	_ =	sdelay $0x3  }
0x37: {  	[smem:$0x3FAE] =	sst s10  }
0x38: {  	s10 =	sld [smem:$0x3FAF]  }
0x39: {  	_ = 	snop;
	(pc) =	sbr.ind lr, $3  }
0x3a: {  	_ = 	snop  }
0x3b: {  	_ = 	snop  }
0x3c: {  	p2 =	seq.s32 s10, $0x1;
	s10 =	sld [smem:$0x3FAE]  }
0x3d: {  	_ =	shalt  }
0x3e: {  	_ =	shalt  }
0x3f: {  	_ =	shalt  }
0x40: {  	_ =	shalt  }
0x41: {  	_ =	shalt  }
0x42: {  	_ =	shalt  }
0x43: {  	_ =	shalt  }
0x44: {  	_ =	shalt  }
0x45: {  	_ =	shalt  }
0x46: {  	_ =	shalt  }
0x47: {  	_ =	shalt  }
0x48: {  	_ =	shalt  }
0x49: {  	_ =	shalt  }
0x4a: {  	_ =	shalt  }
0x4b: {  	_ =	shalt  }
0x4c: {  	_ =	shalt  }
0x4d: {  	_ =	shalt  }
0x4e: {  	_ =	shalt  }
0x4f: {  	_ =	shalt  }
0x50: {  	_ =	shalt  }
0x51: {  	_ =	shalt  }
0x52: {  	_ =	shalt  }
0x53: {  	_ =	shalt  }
0x54: {  	_ =	shalt  }
0x55: {  	_ =	shalt  }
0x56: {  	_ =	shalt  }
0x57: {  	_ =	shalt  }
0x58: {  	_ =	shalt  }
0x59: {  	_ =	shalt  }
0x5a: {  	_ =	shalt  }
0x5b: {  	_ =	shalt  }
0x5c: {  	_ =	shalt  }
0x5d: {  	_ =	shalt  }
0x5e: {  	_ =	shalt  }
0x5f: {  	_ =	shalt  }
0x60: {  	_ =	shalt  }
0x61: {  	_ =	shalt  }
0x62: {  	_ =	shalt  }
0x63: {  	_ =	shalt  }
0x64: {  	_ =	shalt  }
0x65: {  	_ =	shalt  }
0x66: {  	_ =	shalt  }
0x67: {  	_ =	shalt  }
0x68: {  	_ =	shalt  }
0x69: {  	_ =	shalt  }
0x6a: {  	_ =	shalt  }
0x6b: {  	_ =	shalt  }
0x6c: {  	_ =	shalt  }
0x6d: {  	_ =	shalt  }
0x6e: {  	_ =	shalt  }
0x6f: {  	_ =	shalt  }
0x70: {  	_ =	shalt  }
0x71: {  	_ =	shalt  }
0x72: {  	_ =	shalt  }
0x73: {  	_ =	shalt  }
0x74: {  	_ =	shalt  }
0x75: {  	_ =	shalt  }
0x76: {  	_ =	shalt  }
0x77: {  	_ =	shalt  }
0x78: {  	_ =	shalt  }
0x79: {  	_ =	shalt  }
0x7a: {  	_ =	shalt  }
0x7b: {  	_ =	shalt  }
0x7c: {  	_ =	shalt  }
0x7d: {  	_ =	shalt  }
0x7e: {  	_ =	shalt  }
0x7f: {  	_ =	shalt  }
0x80: {  	_ =	shalt  }
0x81: {  	_ =	shalt  }
0x82: {  	_ =	shalt  }
0x83: {  	_ =	shalt  }
0x84: {  	_ =	shalt  }
0x85: {  	_ =	shalt  }
0x86: {  	_ =	shalt  }
0x87: {  	_ =	shalt  }
.Lfunc_end0:
.L_simem_size_0:
called_computation.1_lowered:
.L_overlay_start_0:
0x88: {  	s2 =	sld [smem:$0x3FD9]  }
0x89: {  	s3 =	sld [smem:$0x3FFE];
	_ =	sdelay $0x1  }
0x8a: {  	s1 =	srdreg.scid  }
0x8b: {  	s0 =	sand.u32 $0x1, s1  }
0x8c: {  	s16 =	sshll.u32 s0, $0xA;
	s2 =	sadd.s32 s3, s2  }
0x8d: {  	s2 =	sadd.s32 s2, s16  }
0x8e: {  	[smem:$0x3FBA] =	sst s2  }
0x8f: {  	_ = 	snop  }
0x90: {  	(tm) =	ssettm $0x1  }
0x91: {  	s17 =	sld [smem:$0x3FFB];
	_ =	sdelay $0x3  }
0x92: {  	_ =	strace s17  }
0x93: {  	s2 =	sld [smem:$0x3FFC];
	_ =	sdelay $0x3  }
0x94: {  	_ =	strace s2  }
0x95: {  	s2 =	sld [smem:$0x3FFD];
	_ =	sdelay $0x3  }
0x96: {  	_ =	strace s2  }
0x97: {  	_ =	strace $0x8FFFFFFF  }
0x98: {  	s18 =	sld [smem:$0x3FDB];
	_ =	sdelay $0x1  }
0x99: {  	s19 =	simm.s32 $_scs_section_size  }
0x9a: {  	s4 =	simm.s32 $_size__tile_overlayer_lowered;
	s5 =	simm.s32 $_tile_overlayer_lowered  }
0x9b: {  	s22 =	simm.s32 $0x1BFF;
	s21 =	sshll.u32 s5, $0x1;
	s2 =	sadd.s32 s19, s18  }
0x9c: {  	s6 =	simm.s32 $0x0;
	s20 =	sshll.u32 s4, $0x1;
	s4 =	sadd.s32 s21, s2  }
0x9d: {  	[timem:s6], [sflag:s22] =	dma.local [hbm:s4], s20  }
0x9e: {  	_ =	swait.ge [sflag:s22], s20  }
0x9f: {  	s3 =	ssub.s32 $0x0, s20;
	[sflag:s22] =	ssyncset.done $0x0  }
0xa0: {  	[sflag:s22] =	ssyncadd.s32 s3;
	_ =	sdelay $0x1  }
0xa1: {  	s23 =	simm.s32 $0x1B8B  }
0xa2: {  	_ =	swait.ge [sflag:s23], $0x1  }
0xa3: {  	[sflag:s23] =	ssyncset.done $0x0  }
0xa4: {  	s25 =	simm.s32 $0x1B8E;
	s24 =	sld [smem:$0x3FFE];
	[sflag:s23] =	ssyncadd.s32 $0xFFFFFFFF  }
0xa5: {  	s26 =	simm.s32 $execute0_lowered;
	[smem:$0x3FD2] =	sst s25  }
0xa6: {  	s4 =	sshll.u32 s26, $0x1;
	_ =	strace $0x80000046;
	[dreg:$0x1] =	wrdreg $0xFFFFFFFF  }
0xa7: {  	s28 =	simm.s32 $_size_execute0_lowered;
	s2 =	sadd.s32 s2, s4;
	[dreg:$0x0] =	wrdreg $0x0  }
0xa8: {  	s4 =	sshll.u32 s28, $0x1;
	[dreg:$0x2] =	wrdreg s2  }
0xa9: {  	[dreg:$0x3] =	wrdreg s4  }
0xaa: {  	[dreg:$0x4] =	wrdreg $0xC0  }
0xab: {  	_ =	task [dreg:s6], $0x5FFFF  }
0xac: {  	[dreg:$0x1] =	wrdreg $0xFFFFFFFF  }
0xad: {  	[dreg:$0x0] =	wrdreg $0x60  }
0xae: {  	[dreg:$0x2] =	wrdreg s24  }
0xaf: {  	[dreg:$0x3] =	wrdreg $0xC5800  }
0xb0: {  	[dreg:$0x4] =	wrdreg $0x9  }
0xb1: {  	_ =	task.clear_ibuf [dreg:s6], $0x5FFFF;
	_ =	strace $0x90000046  }
0xb2: {  	s29 =	simm.s32 $0x9;
	_ =	strace $0x80000048  }
0xb3: {  	_ =	swait.ge [sflag:s29], $0x1  }
0xb4: {  	[sflag:s29] =	ssyncadd.s32 $0xFFFFFFFF  }
0xb5: {  	_ =	strace $0x90000048  }
0xb6: {  	_ =	sfence  }
0xb7: {  	s30 =	sld [smem:$0x0];
	_ =	sdelay $0x2  }
0xb8: {  	s31 =	sshll.u32 s1, $0xD;
	s1 =	sshrl.u32 s1, $0x2  }
0xb9: {  	s3 =	sand.u32 $0x4000, s31;
	s1 =	sadd.s32 s1, s30  }
0xba: {  	s0 =	sor.u32 s3, s0;
	s1 =	sshll.u32 s1, $0x11  }
0xbb: {  	s0 =	sor.u32 s1, s0  }
0xbc: {  	s0 =	sadd.s32 $0x8F2B, s0  }
0xbd: {  	[sflag:s0] =	ssyncadd.remote.s32 $0x1  }
0xbe: {  	_ =	sfence.sel $0xFFFF  }
0xbf: {  	[dreg:$0x0] =	wrdreg $0xFFFFFFFF;
	(pc) =	sbr.abs _section_cstart, $3  }
0xc0: {  	[dreg:$0x1] =	wrdreg $0xFFFFFFFF  }
0xc1: {  	_ =	task.clear_ibuf [dreg:s6], $0x2FFFF;
	_ =	strace $0x9FFFFFFF  }
0xc2: {  	(tm) =	ssettm $0x7FFFFFFF  }
0xc3: {  	_ =	shalt  }
tec
execute0_lowered:
.L_overlay_start_1:
0x0: {  	(tag) =	ssettag $0x1  }
0x1: {  	s0 =	srdreg.scid;
	s9 =	stileid.u32  }
0x2: {  	s21 =	sand.u32 $0x1, s0;
	s30 =	sshll.u32 s9, $0x1  }
0x3: {  	s0 =	sor.u32 s21, s30  }
0x4: {  	s20 =	rddreg [dreg:$0x0];
	s3 =	smul.u32 $0x4E2, s0  }
0x5: {  	s1 =	rddreg [dreg:$0x1];
	s2 =	simm.s32 $0x0  }
0x6: {  	s4 =	simm.s32 $0x2;
	[smem:$0x7FF] =	sst s2;
	s19 =	sadd.s32 s3, s20  }
0x7: {  	s0 =	rddreg [dreg:$0x2];
	_ =	strace $0x80000047;
	s3 =	sadd.s32 $0xA200, s19  }
0x8: {  	[tilespmem:s2], [sflag:$0x2] =	stream.linear.gather [hbm4b:s3+s2], $0x2710, $0x38;
	[tilespmem:$0xC7F8] =	vst v63  }
0x9: {  	_ =	swait.ge [sflag:s4], $0x2710  }
0xa: {  	[sflag:s4] =	ssyncset.done $0x0  }
0xb: {  	s6 =	simm.s32 $0x2780;
	s5 =	sadd.s32 $0x400, s19;
	[sflag:s4] =	ssyncadd.s32 $0xFFFFD8F0  }
0xc: {  	[tilespmem:s6], [sflag:$0x2] =	stream.linear.gather [hbm4b:s5+s2], $0x2710, $0x38;
	[tilespmem:$0xC7F8] =	vst v63  }
0xd: {  	_ =	swait.ge [sflag:s4], $0x2710  }
0xe: {  	[sflag:s4] =	ssyncset.done $0x0  }
0xf: {  	s8 =	simm.s32 $0x9E00;
	s7 =	sadd.s32 $0x14600, s20;
	[sflag:s4] =	ssyncadd.s32 $0xFFFFD8F0  }
0x10: {  	[tilespmem:s8], [sflag:$0x2] =	stream.linear.gather [hbm4b:s7+s2], $0x2780, $0x38;
	[tilespmem:$0xC7F8] =	vst v63  }
0x11: {  	p0 =	sne.s32 s9, $0x0;
	_ =	swait.ge [sflag:s4], $0x2780  }
0x12: {  	s9 =	sadd.s32 $0x14C00, s20;
	s11 =	sshrl.u32 @!p0 s1, $0x3;
	[sflag:s4] =	ssyncset.done $0x0  }
0x13: {  	s12 =	simm.s32 @!p0 $0x1C02;
	s10 =	simm.s32 @!p0 $0x2;
	[sflag:s4] =	ssyncadd.s32 $0xFFFFD880  }
0x14: {  	[spmem:s11], [sflag:s12] =	dma.local @!p0 [hbm:s9], $0x4F0  }
0x15: {  	_ =	swait.ge @!p0 [sflag:s10], $0x4F0  }
0x16: {  	[sflag:s10] =	ssyncset.done @!p0 $0x0  }
0x17: {  	s14 =	simm.s32 $0x2710;
	s15 =	simm.s32 $0x4F00;
	[sflag:s10] =	ssyncadd.s32 @!p0 $0xFFFFFB10  }
0x18: {  	s16 =	simm.s32 $0x1;
	s13 =	sadd.s32 $0x14000, s20;
	[bflag:$0x0] =	sbarrier.arrive $0xFFFF  }
0x19: {  	[tilespmem:s15], [sflag:$0x1] =	stream.indirect.gather [hbm4b:s13+s14], $0x1, s6, s14, $0xb8;
	[tilespmem:$0xC7F8] =	vst v63  }
0x1a: {  	_ =	swait.ge [sflag:s16], $0x2710  }
0x1b: {  	[sflag:s16] =	ssyncset.done $0x0  }
0x1c: {  	s17 =	simm.s32 $0x7680;
	[sflag:s16] =	ssyncadd.s32 $0xFFFFD8F0  }
0x1d: {  	[tilespmem:s17], [sflag:$0x1] =	stream.indirect.gather [hbm4b:s13+s14], $0x1, s2, s14, $0xb8;
	[tilespmem:$0xC7F8] =	vst v63  }
0x1e: {  	_ =	swait.ge [sflag:s16], $0x2710  }
0x1f: {  	[sflag:s16] =	ssyncset.done $0x0  }
0x20: {  	s18 =	sadd.s32 $0x15200, s19;
	[sflag:s16] =	ssyncadd.s32 $0xFFFFD8F0  }
0x21: {  	[hbm4b:s18+s2] =	stream.linear.scatter [tilespmem:s15], [sflag:$0x2], $0x2710, $0x38;
	[tilespmem:$0xC7F8] =	vst v63  }
0x22: {  	_ =	swait.ge [sflag:s4], $0x2710  }
0x23: {  	[sflag:s4] =	ssyncset.done $0x0  }
0x24: {  	s22 =	ssub.s32 $0x2, s21;
	s19 =	sadd.s32 $0x1F000, s19;
	[sflag:s4] =	ssyncadd.s32 $0xFFFFD8F0  }
0x25: {  	[hbm4b:s19+s2] =	stream.linear.scatter [tilespmem:s17], [sflag:$0x2], $0x2710, $0x38;
	[tilespmem:$0xC7F8] =	vst v63  }
0x26: {  	s23 =	sshrl.u32 s22, $0x1;
	_ =	swait.ge [sflag:s4], $0x2710  }
0x27: {  	s21 =	sshll.u32 s21, $0x4;
	s31 =	ssub.s32 s22, s23;
	[sflag:s4] =	ssyncset.done $0x0  }
0x28: {  	s20 =	sadd.s32 s21, s20;
	s21 =	smax.u32 s31, $0x1;
	[sflag:s4] =	ssyncadd.s32 $0xFFFFD8F0  }
0x29: {  	[spmem:s1] =	stream.indirect.scatter.add.f32 [tilespmem:s8], [sflag:$0x2], $0x1, s2, s14, $0xb8;
	[tilespmem:$0xC7F8] =	vst v63  }
0x2a: {  	s21 =	sadd.s32 $0xFFFFFFFF, s21;
	_ =	swait.ge [sflag:s4], $0x2710  }
0x2b: {  	s24 =	simm.s32 @!p0 $0x20;
	p1 =	sne.s32 s21, $0x0;
	[sflag:s4] =	ssyncset.done $0x0  }
.Ltmp0:
0x2c: {  	s22 =	simm.s32 @!p0 $0x10;
	[sflag:s4] =	ssyncadd.s32 $0xFFFFD8F0;
	(pc) =	sbr.rel @!p1 .LBB2_2-.Ltmp0, $4  }
0x2d: {  	s23 =	simm.s32 @!p0 $0x1;
	s20 =	sadd.s32 $0x28E00, s20;
	[bflag:$0x0] =	sbarrier.arrive $0xFFFF  }
0x2e: {  	[hbm:s20@s24], [sflag:s12] =	dma.strided @!p0 [spmem:s11@s22], $0x4F0, s23, $0x10   }
0x2f: {  	_ =	swait.ge @!p0 [sflag:s10], $0x4F0  }
0x30: {  	[sflag:s10] =	ssyncset.done @!p0 $0x0  }
.LBB2_1:
0x31: {  	s21 =	sadd.s32 $0xFFFFFFFF, s21;
	[sflag:s10] =	ssyncadd.s32 @!p0 $0xFFFFFB10  }
0x32: {  	[tilespmem:s2], [sflag:$0x2] =	stream.linear.gather [hbm4b:s3+s2], $0x2710, $0x38;
	[tilespmem:$0xC7F8] =	vst v63  }
0x33: {  	p1 =	sne.s32 s21, $0x0;
	_ =	swait.ge [sflag:s4], $0x2710  }
0x34: {  	[sflag:s4] =	ssyncset.done $0x0  }
0x35: {  	[sflag:s4] =	ssyncadd.s32 $0xFFFFD8F0  }
0x36: {  	[tilespmem:s6], [sflag:$0x2] =	stream.linear.gather [hbm4b:s5+s2], $0x2710, $0x38;
	[tilespmem:$0xC7F8] =	vst v63  }
0x37: {  	_ =	swait.ge [sflag:s4], $0x2710  }
0x38: {  	[sflag:s4] =	ssyncset.done $0x0  }
0x39: {  	[sflag:s4] =	ssyncadd.s32 $0xFFFFD8F0  }
0x3a: {  	[tilespmem:s8], [sflag:$0x2] =	stream.linear.gather [hbm4b:s7+s2], $0x2780, $0x38;
	[tilespmem:$0xC7F8] =	vst v63  }
0x3b: {  	_ =	swait.ge [sflag:s4], $0x2780  }
0x3c: {  	[sflag:s4] =	ssyncset.done $0x0  }
0x3d: {  	[sflag:s4] =	ssyncadd.s32 $0xFFFFD880  }
0x3e: {  	[spmem:s11], [sflag:s12] =	dma.local @!p0 [hbm:s9], $0x4F0  }
0x3f: {  	_ =	swait.ge @!p0 [sflag:s10], $0x4F0  }
0x40: {  	[sflag:s10] =	ssyncset.done @!p0 $0x0  }
0x41: {  	[sflag:s10] =	ssyncadd.s32 @!p0 $0xFFFFFB10  }
0x42: {  	[bflag:$0x0] =	sbarrier.arrive $0xFFFF  }
0x43: {  	[tilespmem:s15], [sflag:$0x1] =	stream.indirect.gather [hbm4b:s13+s14], $0x1, s6, s14, $0xb8;
	[tilespmem:$0xC7F8] =	vst v63  }
0x44: {  	_ =	swait.ge [sflag:s16], $0x2710  }
0x45: {  	[sflag:s16] =	ssyncset.done $0x0  }
0x46: {  	[sflag:s16] =	ssyncadd.s32 $0xFFFFD8F0  }
0x47: {  	[tilespmem:s17], [sflag:$0x1] =	stream.indirect.gather [hbm4b:s13+s14], $0x1, s2, s14, $0xb8;
	[tilespmem:$0xC7F8] =	vst v63  }
0x48: {  	_ =	swait.ge [sflag:s16], $0x2710  }
0x49: {  	[sflag:s16] =	ssyncset.done $0x0  }
0x4a: {  	[sflag:s16] =	ssyncadd.s32 $0xFFFFD8F0  }
0x4b: {  	[hbm4b:s18+s2] =	stream.linear.scatter [tilespmem:s15], [sflag:$0x2], $0x2710, $0x38;
	[tilespmem:$0xC7F8] =	vst v63  }
0x4c: {  	_ =	swait.ge [sflag:s4], $0x2710  }
0x4d: {  	[sflag:s4] =	ssyncset.done $0x0  }
0x4e: {  	[sflag:s4] =	ssyncadd.s32 $0xFFFFD8F0  }
0x4f: {  	[hbm4b:s19+s2] =	stream.linear.scatter [tilespmem:s17], [sflag:$0x2], $0x2710, $0x38;
	[tilespmem:$0xC7F8] =	vst v63  }
0x50: {  	_ =	swait.ge [sflag:s4], $0x2710  }
0x51: {  	[sflag:s4] =	ssyncset.done $0x0  }
0x52: {  	[sflag:s4] =	ssyncadd.s32 $0xFFFFD8F0  }
0x53: {  	[spmem:s1] =	stream.indirect.scatter.add.f32 [tilespmem:s8], [sflag:$0x2], $0x1, s2, s14, $0xb8;
	[tilespmem:$0xC7F8] =	vst v63  }
0x54: {  	_ =	swait.ge [sflag:s4], $0x2710  }
0x55: {  	[sflag:s4] =	ssyncset.done $0x0  }
.Ltmp1:
0x56: {  	[sflag:s4] =	ssyncadd.s32 $0xFFFFD8F0;
	(pc) =	sbr.rel @p1 .LBB2_1-.Ltmp1, $4  }
0x57: {  	[bflag:$0x0] =	sbarrier.arrive $0xFFFF  }
0x58: {  	[hbm:s20@s24], [sflag:s12] =	dma.strided @!p0 [spmem:s11@s22], $0x4F0, s23, $0x10   }
0x59: {  	_ =	swait.ge @!p0 [sflag:s10], $0x4F0  }
0x5a: {  	[sflag:s10] =	ssyncset.done @!p0 $0x0  }
.LBB2_2:
0x5b: {  	[sflag:s10] =	ssyncadd.s32 @!p0 $0xFFFFFB10  }
0x5c: {  	_ =	sfence.sel $0x180000  }
0x5d: {  	[bflag:$0x0] =	sbarrier.arrive $0xFFFF  }
0x5e: {  	_ =	strace $0x90000047  }
0x5f: {  	s0 =	sadd.s32 @!p0 $0x100000, s0;
	[bflag:$0x2] =	sbarrier.arrive $0xFFFF  }
0x60: {  	[sflag:s0] =	ssyncadd.tile.s32 @!p0 $0x1;
	_ =	shalt  }
.Lfunc_end2:
_tile_overlayer_lowered:
.L_overlay_start_2:
0x61: {  	(tag) =	ssettag $0x2  }
0x62: {  	s0 =	rddreg [dreg:$0x0];
	s2 =	stileid.u32  }
0x63: {  	s1 =	rddreg [dreg:$0x1];
	p0 =	sne.s32 s2, $0x0  }
0x64: {  	s3 =	rddreg [dreg:$0x2];
	[bflag:$0x3] =	sbarrier.arrive $0xFFFF;
	s2 =	simm.s32 @!p0 $0x1C02  }
0x65: {  	[timem:s3], [sflag:s2] =	dma.local @!p0 [hbm:s0], s1  }
0x66: {  	s0 =	simm.s32 @!p0 $0x2  }
0x67: {  	_ =	swait.ge @!p0 [sflag:s0], s1  }
0x68: {  	s1 =	ssub.s32 @!p0 $0x0, s1;
	[sflag:s0] =	ssyncset.done @!p0 $0x0  }
0x69: {  	[sflag:s0] =	ssyncadd.s32 @!p0 s1  }
0x6a: {  	[bflag:$0x3] =	sbarrier.arrive $0xFFFF  }
0x6b: {  	_ =	shalt  }

// kernel: scatter_offload_async_start
scs
__scs_entry_jumppad:
0x0: {  	(pc) =	sbr.rel $0x88, $3  }
0x1: {  	(tag) =	ssettag $0x0;
	lr =	simm.s32 $0x1  }
0x2: {  	[smem:$0x3F93] =	sst lr;
	_ =	strace $0xD0000000  }
0x3: {  	_ = 	snop  }
0x4: {  	_ = 	snop  }
0x5: {  	_ = 	snop  }
0x6: {  	_ = 	snop  }
0x7: {  	_ = 	snop  }
__scs_overlays_trampoline_lowered:
0x8: {  	[smem:$0x3FA2] =	sst s0  }
0x9: {  	[smem:$0x3FA3] =	sst s1  }
0xa: {  	[smem:$0x3FA4] =	sst s2  }
0xb: {  	[smem:$0x3FA5] =	sst s3  }
0xc: {  	[smem:$0x3FA6] =	sst s4  }
0xd: {  	[smem:$0x3FA7] =	sst s5  }
0xe: {  	[smem:$0x3FA8] =	sst s6  }
0xf: {  	[smem:$0x3FA9] =	sst s7  }
0x10: {  	[smem:$0x3FAA] =	sst s8  }
0x11: {  	[smem:$0x3FAB] =	sst s9;
	s0 =	simm.s32 @!p0 $0x0  }
0x12: {  	s1 =	sld [smem:$0x3F91];
	s0 =	simm.s32 @p0 $0x1  }
0x13: {  	[smem:$0x3FAC] =	sst s0;
	s0 =	simm.s32 @!p1 $0x0  }
0x14: {  	s2 =	sld [smem:$0x3F90];
	s0 =	simm.s32 @p1 $0x1  }
0x15: {  	[smem:$0x3FAD] =	sst s0;
	s0 =	simm.s32 @!p2 $0x0  }
0x16: {  	s3 =	sld [smem:$0x3FDB];
	s0 =	simm.s32 @p2 $0x1  }
0x17: {  	s4 =	simm.s32 $0x1BF5;
	[smem:$0x3FAF] =	sst s0  }
0x18: {  	s0 =	sld [smem:$0x3F92];
	_ =	swait.ge [sflag:s4], $0x0  }
0x19: {  	s7 =	sld [smem:$0x3F93]  }
0x1a: {  	s8 =	sadd.s32 $0xFFFFE003, lr  }
0x1b: {  	s9 =	sadd.s32 $0xFFFFFEF7, lr;
	s5 =	simm.s32 $0xFFFFFFFF;
	p2 =	slt.u32 s8, $0xFFFFF086  }
0x1c: {  	p1 =	slt.u32 s9, $0xF7A;
	s5 =	simm.s32 @!p2 $0x0  }
0x1d: {  	s5 =	simm.s32 @p1 $0x1;
	p0 =	seq.s32 s7, s2  }
0x1e: {  	s7 =	smul.u32 @!p0 $0xF7A, s2;
	p2 =	seq.s32 @!p0 s5, $0x0  }
0x1f: {  	s9 =	smul.u32 $0xF7A, s1;
	s8 =	simm.s32 @!p0 $0x1BF5;
	p2 =	por !p2, p0  }
0x20: {  	[sflag:s8] =	ssyncset.s32 @!p0 $0xFFFFF086;
	s6 =	sadd.s32 @!p0 s3, s7;
	s7 =	simm.s32 @!p0 $0x108  }
0x21: {  	s3 =	sadd.s32 s3, s9;
	s6 =	sadd.s32 @!p0 $0x88, s6;
	s7 =	simm.s32 @p2 $0x1082  }
0x22: {  	[simem:s7], [sflag:s8] =	dma.local @!p0 [hbm:s6], $0xF7A  }
0x23: {  	s9 =	sor.u32 $0xD0000000, s2;
	s6 =	simm.s32 $0x108;
	_ =	swait.ge @!p0 [sflag:s8], $0x0  }
0x24: {  	s3 =	sadd.s32 $0x88, s3;
	s6 =	simm.s32 @!p1 $0x1082;
	[sflag:s4] =	ssyncset.s32 $0xFFFFF086  }
0x25: {  	[simem:s6], [sflag:s4] =	dma.local [hbm:s3], $0xF7A  }
0x26: {  	[smem:$0x3F93] =	sst s1;
	(tag) =	ssettag s2;
	_ =	strace s9  }
0x27: {  	s1 =	sld [smem:$0x3FA3]  }
0x28: {  	s2 =	sld [smem:$0x3FA4]  }
0x29: {  	s4 =	sld [smem:$0x3FA6]  }
0x2a: {  	p0 =	seq.s32 s5, $0x0;
	s5 =	sld [smem:$0x3FA7]  }
0x2b: {  	s6 =	sld [smem:$0x3FA8]  }
0x2c: {  	s7 =	sld [smem:$0x3FA9]  }
0x2d: {  	s3 =	simm.s32 $0x108;
	s8 =	sld [smem:$0x3FAA]  }
0x2e: {  	s3 =	simm.s32 @!p0 $0x1082;
	s9 =	sld [smem:$0x3FAB]  }
0x2f: {  	lr =	sadd.s32 s0, s3;
	s0 =	sld [smem:$0x3FA2]  }
0x30: {  	s3 =	sld [smem:$0x3FA5]  }
0x31: {  	[smem:$0x3FAE] =	sst s10  }
0x32: {  	s10 =	sld [smem:$0x3FAC];
	_ =	sdelay $0x3  }
0x33: {  	p0 =	seq.s32 s10, $0x1;
	s10 =	sld [smem:$0x3FAE];
	_ =	sdelay $0x3  }
0x34: {  	[smem:$0x3FAE] =	sst s10  }
0x35: {  	s10 =	sld [smem:$0x3FAD];
	_ =	sdelay $0x3  }
0x36: {  	p1 =	seq.s32 s10, $0x1;
	s10 =	sld [smem:$0x3FAE];
	_ =	sdelay $0x3  }
0x37: {  	[smem:$0x3FAE] =	sst s10  }
0x38: {  	s10 =	sld [smem:$0x3FAF]  }
0x39: {  	_ = 	snop;
	(pc) =	sbr.ind lr, $3  }
0x3a: {  	_ = 	snop  }
0x3b: {  	_ = 	snop  }
0x3c: {  	p2 =	seq.s32 s10, $0x1;
	s10 =	sld [smem:$0x3FAE]  }
0x3d: {  	_ =	shalt  }
0x3e: {  	_ =	shalt  }
0x3f: {  	_ =	shalt  }
0x40: {  	_ =	shalt  }
0x41: {  	_ =	shalt  }
0x42: {  	_ =	shalt  }
0x43: {  	_ =	shalt  }
0x44: {  	_ =	shalt  }
0x45: {  	_ =	shalt  }
0x46: {  	_ =	shalt  }
0x47: {  	_ =	shalt  }
0x48: {  	_ =	shalt  }
0x49: {  	_ =	shalt  }
0x4a: {  	_ =	shalt  }
0x4b: {  	_ =	shalt  }
0x4c: {  	_ =	shalt  }
0x4d: {  	_ =	shalt  }
0x4e: {  	_ =	shalt  }
0x4f: {  	_ =	shalt  }
0x50: {  	_ =	shalt  }
0x51: {  	_ =	shalt  }
0x52: {  	_ =	shalt  }
0x53: {  	_ =	shalt  }
0x54: {  	_ =	shalt  }
0x55: {  	_ =	shalt  }
0x56: {  	_ =	shalt  }
0x57: {  	_ =	shalt  }
0x58: {  	_ =	shalt  }
0x59: {  	_ =	shalt  }
0x5a: {  	_ =	shalt  }
0x5b: {  	_ =	shalt  }
0x5c: {  	_ =	shalt  }
0x5d: {  	_ =	shalt  }
0x5e: {  	_ =	shalt  }
0x5f: {  	_ =	shalt  }
0x60: {  	_ =	shalt  }
0x61: {  	_ =	shalt  }
0x62: {  	_ =	shalt  }
0x63: {  	_ =	shalt  }
0x64: {  	_ =	shalt  }
0x65: {  	_ =	shalt  }
0x66: {  	_ =	shalt  }
0x67: {  	_ =	shalt  }
0x68: {  	_ =	shalt  }
0x69: {  	_ =	shalt  }
0x6a: {  	_ =	shalt  }
0x6b: {  	_ =	shalt  }
0x6c: {  	_ =	shalt  }
0x6d: {  	_ =	shalt  }
0x6e: {  	_ =	shalt  }
0x6f: {  	_ =	shalt  }
0x70: {  	_ =	shalt  }
0x71: {  	_ =	shalt  }
0x72: {  	_ =	shalt  }
0x73: {  	_ =	shalt  }
0x74: {  	_ =	shalt  }
0x75: {  	_ =	shalt  }
0x76: {  	_ =	shalt  }
0x77: {  	_ =	shalt  }
0x78: {  	_ =	shalt  }
0x79: {  	_ =	shalt  }
0x7a: {  	_ =	shalt  }
0x7b: {  	_ =	shalt  }
0x7c: {  	_ =	shalt  }
0x7d: {  	_ =	shalt  }
0x7e: {  	_ =	shalt  }
0x7f: {  	_ =	shalt  }
0x80: {  	_ =	shalt  }
0x81: {  	_ =	shalt  }
0x82: {  	_ =	shalt  }
0x83: {  	_ =	shalt  }
0x84: {  	_ =	shalt  }
0x85: {  	_ =	shalt  }
0x86: {  	_ =	shalt  }
0x87: {  	_ =	shalt  }
.Lfunc_end0:
.L_simem_size_0:
called_computation_lowered:
.L_overlay_start_0:
0x88: {  	s2 =	sld [smem:$0x3FD9]  }
0x89: {  	s3 =	sld [smem:$0x3FFE];
	_ =	sdelay $0x1  }
0x8a: {  	s1 =	srdreg.scid  }
0x8b: {  	s0 =	sand.u32 $0x1, s1  }
0x8c: {  	s15 =	sshll.u32 s0, $0xA;
	s2 =	sadd.s32 s3, s2  }
0x8d: {  	s2 =	sadd.s32 s2, s15  }
0x8e: {  	[smem:$0x3FBA] =	sst s2  }
0x8f: {  	_ = 	snop  }
0x90: {  	(tm) =	ssettm $0x1  }
0x91: {  	s16 =	sld [smem:$0x3FFB];
	_ =	sdelay $0x3  }
0x92: {  	_ =	strace s16  }
0x93: {  	s2 =	sld [smem:$0x3FFC];
	_ =	sdelay $0x3  }
0x94: {  	_ =	strace s2  }
0x95: {  	s2 =	sld [smem:$0x3FFD];
	_ =	sdelay $0x3  }
0x96: {  	_ =	strace s2  }
0x97: {  	_ =	strace $0x8FFFFFFF  }
0x98: {  	s17 =	sld [smem:$0x3FDB];
	_ =	sdelay $0x1  }
0x99: {  	s18 =	simm.s32 $_scs_section_size  }
0x9a: {  	s4 =	simm.s32 $_size__tile_overlayer_lowered;
	s5 =	simm.s32 $_tile_overlayer_lowered  }
0x9b: {  	s21 =	simm.s32 $0x1BFF;
	s20 =	sshll.u32 s5, $0x1;
	s2 =	sadd.s32 s18, s17  }
0x9c: {  	s6 =	simm.s32 $0x0;
	s19 =	sshll.u32 s4, $0x1;
	s4 =	sadd.s32 s20, s2  }
0x9d: {  	[timem:s6], [sflag:s21] =	dma.local [hbm:s4], s19  }
0x9e: {  	_ =	swait.ge [sflag:s21], s19  }
0x9f: {  	s3 =	ssub.s32 $0x0, s19;
	[sflag:s21] =	ssyncset.done $0x0  }
0xa0: {  	[sflag:s21] =	ssyncadd.s32 s3;
	_ =	sdelay $0x1  }
0xa1: {  	s22 =	simm.s32 $0x1B8B  }
0xa2: {  	_ =	swait.ge [sflag:s22], $0x1  }
0xa3: {  	[sflag:s22] =	ssyncset.done $0x0  }
0xa4: {  	s23 =	sld [smem:$0x3FFE];
	[sflag:s22] =	ssyncadd.s32 $0xFFFFFFFF  }
0xa5: {  	s25 =	simm.s32 $0x1B8E;
	s24 =	sld [smem:$0x0]  }
0xa6: {  	s26 =	simm.s32 $execute0_lowered;
	[smem:$0x3FD2] =	sst s25  }
0xa7: {  	s5 =	sshll.u32 s26, $0x1;
	_ =	strace $0x80000049;
	[dreg:$0x1] =	wrdreg $0xFFFFFFFF  }
0xa8: {  	s28 =	simm.s32 $_size_execute0_lowered;
	s2 =	sadd.s32 s2, s5;
	[dreg:$0x0] =	wrdreg $0x0  }
0xa9: {  	s5 =	sshll.u32 s28, $0x1;
	[dreg:$0x2] =	wrdreg s2  }
0xaa: {  	[dreg:$0x3] =	wrdreg s5  }
0xab: {  	[dreg:$0x4] =	wrdreg $0xC0  }
0xac: {  	_ =	task [dreg:s6], $0x5FFFF  }
0xad: {  	[dreg:$0x1] =	wrdreg $0xFFFFFFFF  }
0xae: {  	[dreg:$0x0] =	wrdreg $0x60  }
0xaf: {  	[dreg:$0x2] =	wrdreg s23  }
0xb0: {  	[dreg:$0x3] =	wrdreg s1  }
0xb1: {  	[dreg:$0x4] =	wrdreg s24  }
0xb2: {  	[dreg:$0x5] =	wrdreg $0x9  }
0xb3: {  	_ =	task.clear_ibuf [dreg:s6], $0x6FFFF;
	_ =	strace $0x90000049  }
0xb4: {  	s29 =	simm.s32 $0x9;
	_ =	strace $0x8000004B  }
0xb5: {  	_ =	swait.ge [sflag:s29], $0x1  }
0xb6: {  	[sflag:s29] =	ssyncadd.s32 $0xFFFFFFFF  }
0xb7: {  	_ =	strace $0x9000004B  }
0xb8: {  	_ =	sfence  }
0xb9: {  	s30 =	sld [smem:$0x0];
	_ =	sdelay $0x2  }
0xba: {  	s31 =	sshll.u32 s1, $0xD;
	s1 =	sshrl.u32 s1, $0x2  }
0xbb: {  	s3 =	sand.u32 $0x4000, s31;
	s1 =	sadd.s32 s1, s30  }
0xbc: {  	s0 =	sor.u32 s3, s0;
	s1 =	sshll.u32 s1, $0x11  }
0xbd: {  	s0 =	sor.u32 s1, s0  }
0xbe: {  	s0 =	sadd.s32 $0x8F2B, s0  }
0xbf: {  	[sflag:s0] =	ssyncadd.remote.s32 $0x1  }
0xc0: {  	_ =	sfence.sel $0xFFFF  }
0xc1: {  	[dreg:$0x0] =	wrdreg $0xFFFFFFFF;
	(pc) =	sbr.abs _section_cstart, $3  }
0xc2: {  	[dreg:$0x1] =	wrdreg $0xFFFFFFFF  }
0xc3: {  	_ =	task.clear_ibuf [dreg:s6], $0x2FFFF;
	_ =	strace $0x9FFFFFFF  }
0xc4: {  	(tm) =	ssettm $0x7FFFFFFF  }
0xc5: {  	_ =	shalt  }
tec
execute0_lowered:
.L_overlay_start_1:
0x0: {  	(tag) =	ssettag $0x1  }
0x1: {  	s2 =	rddreg [dreg:$0x0]  }
0x2: {  	s4 =	rddreg [dreg:$0x1];
	_ =	strace $0x8000004A;
	s0 =	simm.s32 $0x1  }
0x3: {  	s3 =	simm.s32 $0x88;
	v0 =	vimm.s32 $0x0;
	[sflag:s0] =	ssyncpa.u1 $0x0  }
0x4: {  	[tilespmem:s3+$0x30] =	vst v0  }
0x5: {  	s1 =	sadd.s32 $0x64600, s2;
	s0 =	sadd.s32 $0x29800, s2;
	s6 =	sadd.s32 $0xA01400, s2;
	[tilespmem:s3+$0x20] =	vst v0  }
0x6: {  	s2 =	sadd.s32 $0x33600, s2;
	s7 =	sand.u32 $0x1, s4;
	s4 =	simm.s32 $0x40;
	[tilespmem:s3+$0x10] =	vst v0  }
.LBB2_1:
0x7: {  	s4 =	sadd.s32 $0x40, s4  }
0x8: {  	[tilespmem:s3+$0x0] =	vst v0;
	s3 =	sadd.s32 $0x40, s3;
	p0 =	slt.u32 s4, $0x5040  }
.Ltmp0:
0x9: {  	(pc) =	sbr.rel @p0 .LBB2_1-.Ltmp0, $4  }
0xa: {  	_ = 	snop  }
0xb: {  	[tilespmem:s3+$0x30] =	vst v0  }
0xc: {  	[tilespmem:s3+$0x20] =	vst v0  }
0xd: {  	[tilespmem:s3+$0x10] =	vst v0  }
0xe: {  	s8 =	stileid.u32  }
0xf: {  	s4 =	smul.u32 $0x1F, s8  }
0x10: {  	s5 =	smin.u32 s8, $0x4  }
0x11: {  	s4 =	sadd.s32 s5, s4  }
0x12: {  	p0 =	slt.u32 s8, $0x4;
	s12 =	smul.u32 $0x140, s4;
	s4 =	simm.s32 $0x2800  }
0x13: {  	s4 =	simm.s32 @!p0 $0x26C0  }
0x14: {  	s25 =	simm.s32 $0x2;
	s4 =	sadd.s32 s4, s12  }
0x15: {  	s28 =	simm.s32 $0x9;
	s9 =	simm.s32 $0xA;
	s14 =	smin.u32 s4, $0x27100  }
0x16: {  	s30 =	simm.s32 $0xB;
	[dreg:$0x4] =	wrdreg s7;
	s4 =	ssub.s32 s14, s12  }
0x17: {  	s31 =	smul.u32 $0x4E20, s7;
	s13 =	simm.s32 $0x1;
	p0 =	sgt.s32 s4, $0x0  }
0x18: {  	s19 =	simm.s32 $0x0;
	s20 =	simm.s32 $0xA808;
	s4 =	simm.s32 @!p0 $0x0  }
0x19: {  	s21 =	simm.s32 $0xFFFFFFFF;
	p1 =	por $0x0, $0x0;
	s26 =	smulhi.u32 $0x66666667, s4  }
0x1a: {  	[tilespmem:s3+$0x0] =	vst v0;
	s23 =	simm.s32 $0x0;
	[sflag:s25] =	ssyncpa.u1 $0x0;
	s18 =	sshll.u32 s8, $0x7  }
0x1b: {  	s0 =	sadd.s32 s31, s0;
	[dreg:$0xa] =	wrdreg s18;
	s3 =	sshrl.u32 s26, $0x7  }
0x1c: {  	v0 =	vimm.s32 $0xFFFFFFFF;
	s17 =	sadd.s32 s31, s2;
	[dreg:$0x9] =	wrdreg s0;
	s29 =	smul.u32 $0x140, s3  }
0x1d: {  	s25 =	simm.s32 $0x0;
	[tilespmem:$0xA108] =	vst v0;
	[sflag:s28] =	ssyncpa.u1 $0x0;
	[dreg:$0x8] =	wrdreg s17  }
.Ltmp1:
0x1e: {  	p0 =	sne.s32 s4, s29;
	s4 =	simm.s32 $0x1;
	(pc) =	sbr.rel .LBB2_3-.Ltmp1, $4  }
0x1f: {  	[sflag:s9] =	ssyncpa.u1 $0x0;
	[dreg:$0x5] =	wrdreg s12;
	s4 =	simm.s32 @!p0 $0x0  }
0x20: {  	[sflag:s30] =	ssyncpa.u1 $0x0;
	[dreg:$0x6] =	wrdreg s14;
	s15 =	sadd.s32 s4, s3  }
0x21: {  	s24 =	smov.u32 s12;
	s22 =	sadd.s32 $0x1, s15;
	[dreg:$0x7] =	wrdreg s15  }
0x22: {  	v0 =	vlaneseq.u32;
	s26 =	simm.s32 $0x0;
	p0 =	por $0x1, $0x1;
	[dreg:$0xb] =	wrdreg s22  }
.LBB2_22:
0x23: {  	s0 =	sshrl.u32 s2, $0x2  }
.LBB2_24:
0x24: {  	s2 =	simm.s32 $0xC  }
0x25: {  	_ =	swait.ge [sflag:s2], s0  }
0x26: {  	s31 =	ssub.s32 $0x0, s0;
	v1 =	vmov s4;
	vm0 =	veq.s32 v0, $0x0;
	[sflag:s2] =	ssyncset.done $0x0  }
0x27: {  	vm15 =	veq.s32 v0, $0x2;
	v1 =	vsel vm0, s5, v1;
	[sflag:s2] =	ssyncadd.s32 s31  }
0x28: {  	v1 =	vsel vm15, s26, v1;
	[sflag:s2] =	ssyncpa.u1 $0x1  }
0x29: {  	[tilespmem:$0xA108] =	vst v1  }
.LBB2_25:
0x2a: {  	s0 =	sadd.s32 $0x140, s24  }
0x2b: {  	s2 =	smov.u32 s12;
	p2 =	slt.s32 s0, s14  }
0x2c: {  	s2 =	smov.u32 @p2 s0;
	p2 =	sne.s32 s25, s22  }
.Ltmp2:
0x2d: {  	_ = 	snop;
	(pc) =	sbr.rel @!p2 .LBB2_26-.Ltmp2, $4  }
0x2e: {  	_ = 	snop  }
0x2f: {  	s26 =	smov.u32 s23;
	s31 =	sadd.s32 $0x1, s25;
	p0 =	por !p0, !p0  }
0x30: {  	s23 =	smov.u32 s24;
	s20 =	sadd.s32 $0x140, s20;
	s21 =	sadd.s32 $0x1, s21  }
0x31: {  	p1 =	por !p1, !p1;
	s25 =	smov.u32 s31;
	s24 =	smov.u32 s2  }
.LBB2_3:
0x32: {  	p2 =	sge.u32 s25, s15  }
0x33: {  	s0 =	smulhi.u32 @!p2 $0xAAAAAAAB, s25  }
0x34: {  	s2 =	smov.u32 s24;
	p3 =	sgt.s32 @!p2 s24, $0x26FC0  }
0x35: {  	s3 =	sshra.s32 @!p2 s24, $0x1F;
	p3 =	por !p3, p2;
	s0 =	sshrl.u32 @!p2 s0, $0x1  }
0x36: {  	s3 =	sand.u32 @!p2 s3, s24;
	s2 =	simm.s32 @p3 $0x26FC0;
	s0 =	smul.u32 @!p2 $0x3, s0  }
0x37: {  	s2 =	ssub.s32 @!p2 s2, s3  }
0x38: {  	s2 =	sadd.s32 @!p2 $0xFFFD9040, s2;
	s0 =	ssub.s32 @!p2 s25, s0  }
0x39: {  	s3 =	sshll.u32 @!p2 s2, $0x2;
	p3 =	sgt.s32 @!p2 s2, $0x13F;
	s0 =	smul.u32 @!p2 $0x500, s0  }
0x3a: {  	s4 =	sand.u32 @!p2 $0x7, s24;
	s2 =	ssub.s32 @!p2 $0x500, s3;
	p3 =	por !p3, p2  }
0x3b: {  	s3 =	sshrl.u32 @!p2 s24, $0x3;
	s2 =	sshrl.u32 @!p2 s2, $0x2;
	s0 =	sshrl.u32 @!p2 s0, $0x2  }
0x3c: {  	s3 =	sadd.s32 @!p2 s3, s17;
	s2 =	simm.s32 @!p3 $0x0;
	s0 =	sadd.s32 @!p2 $0xA948, s0  }
0x3d: {  	[tilespmem:s0], [sflag:$0xA] =	stream.linear.gather @!p2 [hbm4b:s3+s4], s2, $0x38;
	[tilespmem:$0x1EF88] =	vst v63  }
0x3e: {  	s0 =	sadd.s32 $0xFFFFFFFF, s25  }
0x3f: {  	p2 =	sge.u32 s0, s15  }
.Ltmp3:
0x40: {  	_ = 	snop;
	(pc) =	sbr.rel @p2 .LBB2_7-.Ltmp3, $1  }
0x41: {  	_ =	sdelay $0x3  }
0x42: {  	p2 =	sgt.s32 s23, $0x26FC0;
	s2 =	smov.u32 s23;
	s3 =	sshra.s32 s23, $0x1F  }
0x43: {  	s2 =	simm.s32 @!p2 $0x26FC0;
	s3 =	sand.u32 s3, s23  }
0x44: {  	s2 =	ssub.s32 s2, s3  }
0x45: {  	s17 =	smulhi.u32 $0xAAAAAAAB, s21;
	s0 =	sand.u32 $0x1, s0;
	s2 =	sadd.s32 $0xFFFD9040, s2  }
0x46: {  	s5 =	simm.s32 $0xA;
	s22 =	sshrl.u32 s23, $0x3;
	s4 =	sshll.u32 s2, $0x2  }
0x47: {  	s0 =	smul.u32 $0x500, s0;
	s3 =	sshrl.u32 s17, $0x1;
	s4 =	ssub.s32 $0x500, s4  }
0x48: {  	s3 =	smul.u32 $0xFFFFF100, s3;
	p2 =	sgt.s32 s2, $0x13F;
	s2 =	sshrl.u32 s4, $0x2  }
0x49: {  	s7 =	sand.u32 $0x7, s23;
	s0 =	sshrl.u32 s0, $0x2;
	s2 =	simm.s32 @p2 $0x0  }
0x4a: {  	s0 =	sadd.s32 $0xAD08, s0;
	s3 =	sshra.s32 s3, $0x2;
	_ =	swait.ge [sflag:s5], s2  }
0x4b: {  	s18 =	ssub.s32 $0x0, s2;
	[sflag:s5] =	ssyncset.done $0x0;
	s31 =	rddreg [dreg:$0x9]  }
0x4c: {  	s4 =	sadd.s32 s3, s20;
	[sflag:s5] =	ssyncadd.s32 s18;
	s3 =	sadd.s32 s22, s31  }
0x4d: {  	[tilespmem:s0], [sflag:$0xB] =	stream.linear.gather [hbm4b:s3+s7], s2, $0x38;
	[tilespmem:$0x1EF88] =	vst v63  }
0x4e: {  	v1 =	vld.msk [tilespmem:s4+$0x0], $0xffff;
	_ =	sdelay $0x4  }
0x4f: {  	v1 =	vshll.u32 v1, $0x4  }
0x50: {  	(v2sf) =	vpush v1, $0x0;
	_ =	sdelay $0x1  }
0x51: {  	(v2sf) =	vpush v1, $0x1  }
0x52: {  	(v2sf) =	vpush v1, $0x2;
	_ =	sdelay $0x1  }
0x53: {  	(v2sf) =	vpush v1, $0x3  }
0x54: {  	(v2sf) =	vpush v1, $0x4;
	_ =	sdelay $0x1  }
0x55: {  	(v2sf) =	vpush v1, $0x5  }
0x56: {  	s0 =	simm.s32 $0x1  }
0x57: {  	s0 =	simm.s32 @!p0 $0x0  }
0x58: {  	s0 =	smul.u32 $0x28000, s0  }
0x59: {  	(v2sf) =	vpush v1, $0x6  }
0x5a: {  	s0 =	sshrl.u32 s0, $0x2  }
0x5b: {  	s28 =	sadd.s32 $0xB708, s0  }
0x5c: {  	s10 =	sadd.s32 $0xFFFFF880, s28;
	s15 =	sadd.s32 $0xFFFFF900, s28;
	s8 =	spop (v2sf)  }
0x5d: {  	s16 =	sadd.s32 $0xFFFFF980, s28;
	s31 =	sadd.s32 $0xFFFFFA00, s28;
	(v2sf) =	vpush v1, $0x7;
	s9 =	sand.u32 $0x1FFFFFF0, s8  }
0x5e: {  	s3 =	sadd.s32 $0xFFFFFA80, s28;
	s11 =	spop (v2sf);
	s0 =	sadd.s32 s6, s9  }
0x5f: {  	(v2sf) =	vpush v1, $0x8;
	s12 =	sand.u32 $0x1FFFFFF0, s11;
	s14 =	spop (v2sf);
	s9 =	sadd.s32 $0xFFFFFB00, s28  }
0x60: {  	(v2sf) =	vpush v1, $0x9;
	[tilespmem:s10], [sflag:$0x9] =	stream.linear.gather [hbm4b:s0+s19], $0x40, $0x38;
	[tilespmem:$0x1EF88] =	vst v63  }
0x61: {  	s0 =	sadd.s32 s6, s12;
	s2 =	sand.u32 $0x1FFFFFF0, s14;
	s17 =	spop (v2sf)  }
0x62: {  	(v2sf) =	vpush v1, $0xA;
	s10 =	sadd.s32 $0xFFFFFB80, s28;
	s18 =	sand.u32 $0x1FFFFFF0, s17;
	s22 =	spop (v2sf)  }
0x63: {  	[tilespmem:s15], [sflag:$0x9] =	stream.linear.gather [hbm4b:s0+s19], $0x40, $0x38;
	[tilespmem:$0x1EF88] =	vst v63  }
0x64: {  	s2 =	sadd.s32 s6, s2;
	(v2sf) =	vpush v1, $0xB;
	s0 =	sadd.s32 s6, s18;
	s5 =	spop (v2sf)  }
0x65: {  	[tilespmem:s16], [sflag:$0x9] =	stream.linear.gather [hbm4b:s2+s19], $0x40, $0x38;
	[tilespmem:$0x1EF88] =	vst v63  }
0x66: {  	(v2sf) =	vpush v1, $0xC;
	s15 =	sadd.s32 $0xFFFFFC00, s28;
	s7 =	sand.u32 $0x1FFFFFF0, s5;
	s2 =	sand.u32 $0x1FFFFFF0, s22  }
0x67: {  	[tilespmem:s31], [sflag:$0x9] =	stream.linear.gather [hbm4b:s0+s19], $0x40, $0x38;
	[tilespmem:$0x1EF88] =	vst v63  }
0x68: {  	s8 =	spop (v2sf);
	(v2sf) =	vpush v1, $0xD;
	s5 =	sadd.s32 $0xFFFFFD80, s28;
	s2 =	sadd.s32 s6, s2  }
0x69: {  	[tilespmem:s3], [sflag:$0x9] =	stream.linear.gather [hbm4b:s2+s19], $0x40, $0x38;
	[tilespmem:$0x1EF88] =	vst v63  }
0x6a: {  	s16 =	sadd.s32 $0xFFFFFC80, s28;
	s0 =	sadd.s32 s6, s7;
	s2 =	sand.u32 $0x1FFFFFF0, s8  }
0x6b: {  	[tilespmem:s9], [sflag:$0x9] =	stream.linear.gather [hbm4b:s0+s19], $0x40, $0x38;
	[tilespmem:$0x1EF88] =	vst v63  }
0x6c: {  	s31 =	sadd.s32 $0xFFFFFD00, s28;
	s2 =	sadd.s32 s6, s2;
	s11 =	spop (v2sf);
	(v2sf) =	vpush v1, $0xE  }
0x6d: {  	[tilespmem:s10], [sflag:$0x9] =	stream.linear.gather [hbm4b:s2+s19], $0x40, $0x38;
	[tilespmem:$0x1EF88] =	vst v63  }
0x6e: {  	s10 =	sadd.s32 $0xFFFFFE00, s28;
	s12 =	sand.u32 $0x1FFFFFF0, s11;
	s14 =	spop (v2sf);
	(v2sf) =	vpush v1, $0xF  }
0x6f: {  	s0 =	sadd.s32 s6, s12;
	s2 =	sand.u32 $0x1FFFFFF0, s14;
	s17 =	spop (v2sf)  }
0x70: {  	[tilespmem:s15], [sflag:$0x9] =	stream.linear.gather [hbm4b:s0+s19], $0x40, $0x38;
	[tilespmem:$0x1EF88] =	vst v63  }
0x71: {  	s2 =	sadd.s32 s6, s2;
	s18 =	sand.u32 $0x1FFFFFF0, s17;
	s22 =	spop (v2sf)  }
0x72: {  	[tilespmem:s16], [sflag:$0x9] =	stream.linear.gather [hbm4b:s2+s19], $0x40, $0x38;
	[tilespmem:$0x1EF88] =	vst v63  }
0x73: {  	s0 =	sadd.s32 s6, s18;
	s7 =	spop (v2sf);
	s2 =	sand.u32 $0x1FFFFFF0, s22  }
0x74: {  	[tilespmem:s31], [sflag:$0x9] =	stream.linear.gather [hbm4b:s0+s19], $0x40, $0x38;
	[tilespmem:$0x1EF88] =	vst v63  }
0x75: {  	s8 =	sand.u32 $0x1FFFFFF0, s7;
	s9 =	spop (v2sf);
	s2 =	sadd.s32 s6, s2  }
0x76: {  	[tilespmem:s5], [sflag:$0x9] =	stream.linear.gather [hbm4b:s2+s19], $0x40, $0x38;
	[tilespmem:$0x1EF88] =	vst v63  }
0x77: {  	s12 =	spop (v2sf);
	s0 =	sadd.s32 s6, s8;
	s2 =	sand.u32 $0x1FFFFFF0, s9  }
0x78: {  	[tilespmem:s10], [sflag:$0x9] =	stream.linear.gather [hbm4b:s0+s19], $0x40, $0x38;
	[tilespmem:$0x1EF88] =	vst v63  }
0x79: {  	s11 =	sadd.s32 $0xFFFFFE80, s28;
	s14 =	sand.u32 $0x1FFFFFF0, s12;
	s2 =	sadd.s32 s6, s2  }
0x7a: {  	[tilespmem:s11], [sflag:$0x9] =	stream.linear.gather [hbm4b:s2+s19], $0x40, $0x38;
	[tilespmem:$0x1EF88] =	vst v63  }
0x7b: {  	s16 =	sadd.s32 $0xFFFFFF00, s28;
	s0 =	sadd.s32 s6, s14;
	s15 =	spop (v2sf)  }
0x7c: {  	[tilespmem:s16], [sflag:$0x9] =	stream.linear.gather [hbm4b:s0+s19], $0x40, $0x38;
	[tilespmem:$0x1EF88] =	vst v63  }
0x7d: {  	s30 =	sadd.s32 $0x10, s4;
	s2 =	sand.u32 $0x1FFFFFF0, s15;
	s17 =	spop (v2sf)  }
0x7e: {  	s22 =	sadd.s32 $0xFFFFFF80, s28;
	s18 =	sadd.s32 s6, s2;
	s31 =	sand.u32 $0x1FFFFFF0, s17  }
0x7f: {  	[tilespmem:s22], [sflag:$0x9] =	stream.linear.gather [hbm4b:s18+s19], $0x40, $0x38;
	[tilespmem:$0x1EF88] =	vst v63  }
0x80: {  	s29 =	sadd.s32 $0x800, s28;
	s0 =	simm.s32 $0x0;
	s2 =	sadd.s32 s6, s31  }
.LBB2_5:
0x81: {  	[tilespmem:s28], [sflag:$0x9] =	stream.linear.gather [hbm4b:s2+s19], $0x40, $0x38;
	[tilespmem:$0x1EF88] =	vst v63  }
0x82: {  	s0 =	sadd.s32 $0x10, s0;
	s28 =	smov.u32 s29  }
0x83: {  	p2 =	slt.u32 s0, $0x130;
	v1 =	vld.msk [tilespmem:s30+$0x0], $0xffff;
	_ =	sdelay $0x4  }
0x84: {  	v1 =	vshll.u32 v1, $0x4  }
0x85: {  	(v2sf) =	vpush v1, $0x0  }
0x86: {  	(v2sf) =	vpush v1, $0x1  }
0x87: {  	(v2sf) =	vpush v1, $0x2;
	_ =	sdelay $0x1  }
0x88: {  	(v2sf) =	vpush v1, $0x3;
	_ =	sdelay $0x1  }
0x89: {  	(v2sf) =	vpush v1, $0x4;
	_ =	sdelay $0x1  }
0x8a: {  	(v2sf) =	vpush v1, $0x5;
	_ =	sdelay $0x1  }
0x8b: {  	(v2sf) =	vpush v1, $0x6  }
0x8c: {  	s31 =	sadd.s32 $0xFFFFFE80, s29;
	s4 =	sadd.s32 $0xFFFFFF00, s29  }
0x8d: {  	s3 =	sadd.s32 $0xFFFFFD00, s29;
	s2 =	sadd.s32 $0xFFFFFD80, s29;
	s5 =	sadd.s32 $0xFFFFFE00, s29;
	(v2sf) =	vpush v1, $0x7  }
0x8e: {  	s10 =	sadd.s32 $0xFFFFFB80, s29;
	s9 =	sadd.s32 $0xFFFFFC00, s29;
	s16 =	sadd.s32 $0xFFFFFC80, s29  }
0x8f: {  	s11 =	sadd.s32 $0xFFFFFA00, s29;
	s12 =	sadd.s32 $0xFFFFFA80, s29;
	s15 =	sadd.s32 $0xFFFFFB00, s29;
	(v2sf) =	vpush v1, $0x8  }
0x90: {  	s18 =	sadd.s32 $0xFFFFF900, s29;
	s7 =	sadd.s32 $0xFFFFF980, s29;
	s22 =	spop (v2sf)  }
0x91: {  	s8 =	sadd.s32 $0xFFFFF880, s29;
	s22 =	sand.u32 $0x1FFFFFF0, s22;
	s14 =	spop (v2sf);
	(v2sf) =	vpush v1, $0x9  }
0x92: {  	s22 =	sadd.s32 s6, s22;
	s14 =	sand.u32 $0x1FFFFFF0, s14;
	s17 =	spop (v2sf)  }
0x93: {  	[tilespmem:s8], [sflag:$0x9] =	stream.linear.gather [hbm4b:s22+s19], $0x40, $0x38;
	(v2sf) =	vpush v1, $0xA;
	[tilespmem:$0x1EF88] =	vst v63  }
0x94: {  	s8 =	sadd.s32 s6, s14;
	s14 =	sand.u32 $0x1FFFFFF0, s17;
	s17 =	spop (v2sf)  }
0x95: {  	[tilespmem:s18], [sflag:$0x9] =	stream.linear.gather [hbm4b:s8+s19], $0x40, $0x38;
	(v2sf) =	vpush v1, $0xB;
	[tilespmem:$0x1EF88] =	vst v63  }
0x96: {  	s8 =	sadd.s32 s6, s14;
	s14 =	sand.u32 $0x1FFFFFF0, s17;
	s17 =	spop (v2sf)  }
0x97: {  	[tilespmem:s7], [sflag:$0x9] =	stream.linear.gather [hbm4b:s8+s19], $0x40, $0x38;
	(v2sf) =	vpush v1, $0xC;
	[tilespmem:$0x1EF88] =	vst v63  }
0x98: {  	s7 =	sadd.s32 s6, s14;
	s8 =	sand.u32 $0x1FFFFFF0, s17;
	s14 =	spop (v2sf)  }
0x99: {  	[tilespmem:s11], [sflag:$0x9] =	stream.linear.gather [hbm4b:s7+s19], $0x40, $0x38;
	(v2sf) =	vpush v1, $0xD;
	[tilespmem:$0x1EF88] =	vst v63  }
0x9a: {  	s7 =	sadd.s32 s6, s8;
	s8 =	sand.u32 $0x1FFFFFF0, s14;
	s11 =	spop (v2sf)  }
0x9b: {  	[tilespmem:s12], [sflag:$0x9] =	stream.linear.gather [hbm4b:s7+s19], $0x40, $0x38;
	(v2sf) =	vpush v1, $0xE;
	[tilespmem:$0x1EF88] =	vst v63  }
0x9c: {  	s7 =	sadd.s32 s6, s8;
	s8 =	sand.u32 $0x1FFFFFF0, s11;
	s11 =	spop (v2sf)  }
0x9d: {  	[tilespmem:s15], [sflag:$0x9] =	stream.linear.gather [hbm4b:s7+s19], $0x40, $0x38;
	(v2sf) =	vpush v1, $0xF;
	[tilespmem:$0x1EF88] =	vst v63  }
0x9e: {  	s7 =	sadd.s32 s6, s8;
	s8 =	sand.u32 $0x1FFFFFF0, s11;
	s11 =	spop (v2sf)  }
0x9f: {  	[tilespmem:s10], [sflag:$0x9] =	stream.linear.gather [hbm4b:s7+s19], $0x40, $0x38;
	[tilespmem:$0x1EF88] =	vst v63  }
0xa0: {  	s7 =	sadd.s32 s6, s8;
	s8 =	sand.u32 $0x1FFFFFF0, s11;
	s10 =	spop (v2sf)  }
0xa1: {  	[tilespmem:s9], [sflag:$0x9] =	stream.linear.gather [hbm4b:s7+s19], $0x40, $0x38;
	[tilespmem:$0x1EF88] =	vst v63  }
0xa2: {  	s7 =	sadd.s32 s6, s8;
	s8 =	sand.u32 $0x1FFFFFF0, s10;
	s9 =	spop (v2sf)  }
0xa3: {  	[tilespmem:s16], [sflag:$0x9] =	stream.linear.gather [hbm4b:s7+s19], $0x40, $0x38;
	[tilespmem:$0x1EF88] =	vst v63  }
0xa4: {  	s7 =	sadd.s32 s6, s8;
	s8 =	sand.u32 $0x1FFFFFF0, s9;
	s9 =	spop (v2sf)  }
0xa5: {  	[tilespmem:s3], [sflag:$0x9] =	stream.linear.gather [hbm4b:s7+s19], $0x40, $0x38;
	[tilespmem:$0x1EF88] =	vst v63  }
0xa6: {  	s3 =	sadd.s32 s6, s8;
	s7 =	sand.u32 $0x1FFFFFF0, s9;
	s8 =	spop (v2sf)  }
0xa7: {  	[tilespmem:s2], [sflag:$0x9] =	stream.linear.gather [hbm4b:s3+s19], $0x40, $0x38;
	[tilespmem:$0x1EF88] =	vst v63  }
0xa8: {  	s2 =	sadd.s32 s6, s7;
	s3 =	sand.u32 $0x1FFFFFF0, s8;
	s7 =	spop (v2sf)  }
0xa9: {  	[tilespmem:s5], [sflag:$0x9] =	stream.linear.gather [hbm4b:s2+s19], $0x40, $0x38;
	[tilespmem:$0x1EF88] =	vst v63  }
0xaa: {  	s2 =	sadd.s32 s6, s3;
	s3 =	sand.u32 $0x1FFFFFF0, s7;
	s5 =	spop (v2sf)  }
0xab: {  	[tilespmem:s31], [sflag:$0x9] =	stream.linear.gather [hbm4b:s2+s19], $0x40, $0x38;
	[tilespmem:$0x1EF88] =	vst v63  }
0xac: {  	s2 =	sadd.s32 s6, s3  }
.Ltmp4:
0xad: {  	s3 =	sand.u32 $0x1FFFFFF0, s5;
	s5 =	spop (v2sf);
	(pc) =	sbr.rel @p2 .LBB2_5-.Ltmp4, $4  }
0xae: {  	[tilespmem:s4], [sflag:$0x9] =	stream.linear.gather [hbm4b:s2+s19], $0x40, $0x38;
	[tilespmem:$0x1EF88] =	vst v63  }
0xaf: {  	s2 =	sadd.s32 s6, s3;
	s3 =	sadd.s32 $0xFFFFFF80, s29;
	s4 =	sand.u32 $0x1FFFFFF0, s5  }
0xb0: {  	[tilespmem:s3], [sflag:$0x9] =	stream.linear.gather [hbm4b:s2+s19], $0x40, $0x38;
	[tilespmem:$0x1EF88] =	vst v63  }
0xb1: {  	s30 =	sadd.s32 $0x10, s30;
	s29 =	sadd.s32 $0x800, s29;
	s2 =	sadd.s32 s6, s4  }
0xb2: {  	[tilespmem:s28], [sflag:$0x9] =	stream.linear.gather [hbm4b:s2+s19], $0x40, $0x38;
	[tilespmem:$0x1EF88] =	vst v63  }
0xb3: {  	s12 =	rddreg [dreg:$0x5]  }
0xb4: {  	s14 =	rddreg [dreg:$0x6]  }
0xb5: {  	s15 =	rddreg [dreg:$0x7]  }
0xb6: {  	s17 =	rddreg [dreg:$0x8]  }
0xb7: {  	s18 =	rddreg [dreg:$0xa]  }
0xb8: {  	s22 =	rddreg [dreg:$0xb]  }
.LBB2_7:
0xb9: {  	p2 =	slt.u32 s25, $0x2  }
.Ltmp5:
0xba: {  	_ = 	snop;
	(pc) =	sbr.rel @p2 .LBB2_25-.Ltmp5, $1  }
0xbb: {  	_ =	sdelay $0x3  }
0xbc: {  	p2 =	sgt.s32 s26, $0x26FC0;
	s0 =	smov.u32 s26;
	s2 =	sshra.s32 s26, $0x1F  }
0xbd: {  	s0 =	simm.s32 @!p2 $0x26FC0;
	s2 =	sand.u32 s2, s26  }
0xbe: {  	s0 =	ssub.s32 s0, s2  }
0xbf: {  	s0 =	sadd.s32 $0xFFFD9040, s0  }
0xc0: {  	s3 =	simm.s32 $0x9;
	s29 =	sshll.u32 s0, $0x2  }
0xc1: {  	_ =	swait.ge [sflag:s3], $0x5000;
	s2 =	ssub.s32 $0x500, s29  }
0xc2: {  	[sflag:s3] =	ssyncset.done $0x0;
	p2 =	sgt.s32 s0, $0x13F;
	s0 =	sshrl.u32 s2, $0x2  }
0xc3: {  	s30 =	simm.s32 $0xB;
	[sflag:s3] =	ssyncadd.s32 $0xFFFFB000;
	s0 =	simm.s32 @p2 $0x0  }
0xc4: {  	_ =	swait.ge [sflag:s30], s0  }
0xc5: {  	s0 =	ssub.s32 $0x0, s0;
	[sflag:s30] =	ssyncset.done $0x0  }
0xc6: {  	[sflag:s30] =	ssyncadd.s32 s0  }
0xc7: {  	v1 =	vld [tilespmem:$0xA108];
	_ =	sdelay $0x4  }
0xc8: {  	(v2sf) =	vpush v1, $0x0  }
0xc9: {  	(v2sf) =	vpush v1, $0x1  }
0xca: {  	(v2sf) =	vpush v1, $0x2;
	_ =	sdelay $0x3  }
0xcb: {  	s0 =	sadd.s32 $0x140, s26  }
0xcc: {  	s4 =	ssub.s32 $0x4E200, s26;
	p2 =	slt.s32 s14, s0  }
0xcd: {  	s0 =	smov.u32 @p2 s14;
	p2 =	sgt.s32 s4, $0x0  }
0xce: {  	s0 =	ssub.s32 s0, s26;
	s4 =	simm.s32 @!p2 $0x0  }
0xcf: {  	p2 =	slt.s32 s4, s0  }
0xd0: {  	s0 =	smov.u32 @p2 s4  }
0xd1: {  	s2 =	simm.s32 $0x1;
	p2 =	slt.s32 s0, $0x1  }
.Ltmp6:
0xd2: {  	s2 =	simm.s32 @!p1 $0x0;
	(pc) =	sbr.rel @p2 .LBB2_12-.Ltmp6, $4  }
0xd3: {  	s7 =	smul.u32 $0x500, s2  }
0xd4: {  	s3 =	spop (v2sf)  }
0xd5: {  	s31 =	sshrl.u32 s7, $0x2;
	s5 =	spop (v2sf)  }
0xd6: {  	s28 =	sadd.s32 $0xAD08, s31;
	s26 =	spop (v2sf)  }
0xd7: {  	s4 =	smin.u32 s0, $0x10  }
0xd8: {  	v1 =	vmov s4  }
0xd9: {  	p3 =	sgt.s32 s0, $0x10;
	vm1 =	vgt.u32 v1, v0  }
.Ltmp7:
0xda: {  	_ = 	snop;
	(pc) =	sbr.rel @!p3 .LBB2_11-.Ltmp7, $2  }
0xdb: {  	_ =	sdelay $0x2  }
0xdc: {  	s9 =	simm.s32 $0x10;
	s10 =	sadd.s32 $0xFFFFFFF0, s0;
	s4 =	smov.u32 s28;
	vm0 =	vmmov vm1  }
.LBB2_10:
0xdd: {  	s7 =	smin.u32 s10, $0x10;
	s9 =	sadd.s32 $0x10, s9;
	v1 =	vld.msk [tilespmem:s4+$0x0 ss:$0x1], vm1  }
0xde: {  	v2 =	vmov s7;
	p3 =	slt.s32 s9, s0  }
0xdf: {  	vm1 =	vgt.u32 v2, v0  }
.Ltmp8:
0xe0: {  	(pc) =	sbr.rel @p3 .LBB2_10-.Ltmp8, $3  }
0xe1: {  	_ =	sdelay $0x1  }
0xe2: {  	v1 =	vshll.u32 v1, $0x4  }
0xe3: {  	s10 =	sadd.s32 $0xFFFFFFF0, s10;
	[tilespmem:s4+$0x0] =	vst.msk vm0, v1;
	s4 =	sadd.s32 $0x10, s4;
	vm0 =	vmmov vm1  }
.LBB2_11:
0xe4: {  	_ =	sdelay $0x4  }
0xe5: {  	v1 =	vld.msk [tilespmem:s4+$0x0 ss:$0x1], vm1;
	_ =	sdelay $0x4  }
0xe6: {  	v1 =	vshll.u32 v1, $0x4  }
0xe7: {  	[tilespmem:s4+$0x0] =	vst.msk vm0, v1  }
.LBB2_12:
0xe8: {  	s4 =	sand.u32 $0x1, s25  }
0xe9: {  	s7 =	smul.u32 $0xA000, s4  }
0xea: {  	p3 =	sne.s32 s5, $0xFFFFFFFF;
	s4 =	smul.u32 $0x140, s4  }
0xeb: {  	v1 =	vld @!p3 [tilespmem:s7+$0xAF88]  }
0xec: {  	v2 =	vld.msk @!p3 [tilespmem:s4+$0xAD08], $0x1;
	_ =	sdelay $0x3  }
0xed: {  	[tilespmem:$0x88] =	vst @!p3 v1  }
0xee: {  	(v2sf) =	vpush @!p3 v2, $0x0;
	v1 =	vld @!p3 [tilespmem:s7+$0xAF98];
	_ =	sdelay $0x4  }
0xef: {  	[tilespmem:$0x98] =	vst @!p3 v1  }
0xf0: {  	v1 =	vld @!p3 [tilespmem:s7+$0xAFA8];
	_ =	sdelay $0x4  }
0xf1: {  	[tilespmem:$0xA8] =	vst @!p3 v1  }
0xf2: {  	v1 =	vld @!p3 [tilespmem:s7+$0xAFB8]  }
.Ltmp9:
0xf3: {  	_ = 	snop;
	(pc) =	sbr.rel @p2 .LBB2_23-.Ltmp9, $4  }
0xf4: {  	_ = 	snop  }
0xf5: {  	s29 =	spop @!p3 (v2sf)  }
0xf6: {  	s31 =	simm.s32 $0xC;
	s26 =	simm.s32 @!p3 $0x0;
	s4 =	smov.u32 s29  }
0xf7: {  	s29 =	smov.u32 @p3 s3;
	s4 =	smov.u32 @p3 s5;
	[tilespmem:$0xB8] =	vst @!p3 v1;
	[sflag:s31] =	ssyncpa.u1 $0x0  }
0xf8: {  	v1 =	vld.msk [tilespmem:s28+$0x0], $0x1;
	_ =	sdelay $0x4  }
0xf9: {  	(v2sf) =	vpush v1, $0x0;
	_ =	sdelay $0xe  }
0xfa: {  	s2 =	smul.u32 $0x28000, s2;
	s5 =	spop (v2sf)  }
0xfb: {  	s31 =	ssub.s32 $0x0, s0;
	p2 =	seq.s32 s29, s5  }
0xfc: {  	s3 =	smov.u32 s29;
	s2 =	sshrl.u32 s2, $0x2;
	p3 =	sgt.s32 @!p2 s29, $0x0  }
0xfd: {  	s30 =	sadd.s32 $0xAFA8, s2;
	s2 =	sadd.s32 $0x1, s31;
	p3 =	por !p3, p2  }
0xfe: {  	s3 =	simm.s32 @p3 $0x0;
	p3 =	seq.s32 s2, $0x0  }
.Ltmp10:
0xff: {  	_ = 	snop;
	(pc) =	sbr.rel @p3 .LBB2_15-.Ltmp10, $4  }
0x100: {  	_ = 	snop  }
0x101: {  	s0 =	simm.s32 $0x0;
	s9 =	simm.s32 @!p2 $0x1;
	s3 =	smin.u32 @!p2 s3, $0x270F8  }
0x102: {  	s10 =	simm.s32 @!p2 $0x50C8;
	s9 =	smov.u32 @p2 s0;
	s7 =	sand.u32 @!p2 $0x3FFF8, s3  }
0x103: {  	s16 =	sand.u32 @!p2 $0x7, s3;
	s3 =	sadd.s32 $0x1, s28;
	s11 =	sadd.s32 @!p2 s1, s7  }
.LBB2_14:
0x104: {  	s7 =	smov.u32 s9  }
0x105: {  	[tilespmem:s10], [sflag:$0x2] =	stream.linear.gather @!p2 [hbm4b:s11+s16], $0x40, $0x38;
	[tilespmem:$0x1EF88] =	vst v63  }
0x106: {  	s2 =	sadd.s32 $0x1, s2;
	s8 =	smov.u32 s5;
	v1 =	vld.msk [tilespmem:s3+$0x0], $0x1  }
0x107: {  	p3 =	seq.s32 s2, $0x0;
	_ =	sdelay $0x3  }
0x108: {  	(v2sf) =	vpush v1, $0x0;
	_ =	sdelay $0xe  }
0x109: {  	s5 =	spop (v2sf)  }
0x10a: {  	p2 =	seq.s32 s8, s5  }
0x10b: {  	p4 =	sgt.s32 @!p2 s8, $0x0;
	s10 =	sshll.u32 @!p2 s9, $0x8;
	s9 =	sadd.s32 @!p2 $0x1, s9  }
.Ltmp11:
0x10c: {  	p4 =	por !p4, p2;
	s10 =	sshra.s32 @!p2 s10, $0x2;
	(pc) =	sbr.rel @!p3 .LBB2_14-.Ltmp11, $4  }
0x10d: {  	s9 =	smov.u32 @p2 s7;
	s8 =	simm.s32 @p4 $0x0;
	s10 =	sadd.s32 @!p2 $0x50C8, s10  }
0x10e: {  	s7 =	smin.u32 @!p2 s8, $0x270F8  }
0x10f: {  	s8 =	sand.u32 @!p2 $0x3FFF8, s7;
	s16 =	sand.u32 @!p2 $0x7, s7  }
0x110: {  	s3 =	sadd.s32 $0x1, s3;
	s11 =	sadd.s32 @!p2 s1, s8  }
.LBB2_15:
0x111: {  	[tilespmem:s10], [sflag:$0x2] =	stream.linear.gather @!p2 [hbm4b:s11+s16], $0x40, $0x38;
	[tilespmem:$0x1EF88] =	vst v63  }
.Ltmp12:
0x112: {  	s2 =	sshll.u32 s9, $0x6;
	(pc) =	sbr.rel .LBB2_16-.Ltmp12, $4  }
0x113: {  	s3 =	simm.s32 $0x2;
	s2 =	sand.u32 $0x3FFFFFC0, s2  }
0x114: {  	_ =	swait.ge [sflag:s3], s2  }
0x115: {  	s2 =	ssub.s32 $0x0, s2;
	[sflag:s3] =	ssyncset.done $0x0  }
0x116: {  	[sflag:s3] =	ssyncadd.s32 s2;
	s2 =	simm.s32 $0x0  }
.LBB2_17:
0x117: {  	v1 =	vld [tilespmem:s30+$0xFFFFFFE0]  }
0x118: {  	v2 =	vld [tilespmem:s3+$0x88];
	_ =	sdelay $0x4  }
0x119: {  	v1 =	vmax.f32 v1, v2  }
0x11a: {  	v2 =	vld [tilespmem:s3+$0x98];
	[tilespmem:s3+$0x88] =	vst v1  }
0x11b: {  	v1 =	vld [tilespmem:s30+$0xFFFFFFF0];
	_ =	sdelay $0x4  }
0x11c: {  	v1 =	vmax.f32 v1, v2  }
0x11d: {  	v2 =	vld [tilespmem:s3+$0xA8];
	[tilespmem:s3+$0x98] =	vst v1  }
0x11e: {  	v1 =	vld [tilespmem:s30+$0x0];
	_ =	sdelay $0x4  }
0x11f: {  	v1 =	vmax.f32 v1, v2  }
0x120: {  	v2 =	vld [tilespmem:s3+$0xB8];
	[tilespmem:s3+$0xA8] =	vst v1  }
0x121: {  	v1 =	vld [tilespmem:s30+$0x10];
	_ =	sdelay $0x4  }
0x122: {  	v1 =	vmax.f32 v1, v2  }
0x123: {  	[tilespmem:s3+$0xB8] =	vst v1  }
.LBB2_21:
0x124: {  	s31 =	sadd.s32 $0x1, s31  }
0x125: {  	p2 =	seq.s32 s31, $0x0  }
.Ltmp13:
0x126: {  	_ = 	snop;
	(pc) =	sbr.rel @p2 .LBB2_22-.Ltmp13, $2  }
0x127: {  	_ =	sdelay $0x2  }
0x128: {  	s30 =	sadd.s32 $0x80, s30;
	s28 =	sadd.s32 $0x1, s28;
	s29 =	smov.u32 s5  }
.LBB2_16:
0x129: {  	v1 =	vld.msk [tilespmem:s28+$0x0], $0x1;
	_ =	sdelay $0x4  }
0x12a: {  	(v2sf) =	vpush v1, $0x0;
	_ =	sdelay $0xe  }
0x12b: {  	s5 =	spop (v2sf)  }
0x12c: {  	p2 =	sne.s32 s29, s5  }
.Ltmp14:
0x12d: {  	_ = 	snop;
	(pc) =	sbr.rel @!p2 .LBB2_17-.Ltmp14, $3  }
0x12e: {  	_ =	sdelay $0x1  }
0x12f: {  	s3 =	sshll.u32 s26, $0x8  }
0x130: {  	s3 =	sshra.s32 s3, $0x2  }
0x131: {  	p2 =	seq.s32 s29, s4  }
.Ltmp15:
0x132: {  	_ = 	snop;
	(pc) =	sbr.rel @!p2 .LBB2_19-.Ltmp15, $1  }
0x133: {  	_ =	sdelay $0x3  }
.Ltmp16:
0x134: {  	s3 =	sadd.s32 $0x88, s3;
	(pc) =	sbr.rel .LBB2_20-.Ltmp16, $4  }
0x135: {  	[spmem:s18] =	stream.linear.scatter [tilespmem:s3], [sflag:$0x1], $0x40, $0x38;
	[tilespmem:$0x1EF88] =	vst v63  }
0x136: {  	_ =	swait.ge [sflag:s13], $0x40  }
0x137: {  	[sflag:s13] =	ssyncset.done $0x0  }
0x138: {  	[sflag:s13] =	ssyncadd.s32 $0xFFFFFFC0  }
.LBB2_19:
0x139: {  	s7 =	sshll.u32 s0, $0x8  }
0x13a: {  	v2 =	vld [tilespmem:s3+$0x88];
	s7 =	sshra.s32 s7, $0x2  }
0x13b: {  	v1 =	vld [tilespmem:s7+$0x50C8];
	_ =	sdelay $0x4  }
0x13c: {  	v1 =	vmax.f32 v1, v2  }
0x13d: {  	v2 =	vld [tilespmem:s3+$0x98];
	[tilespmem:s3+$0x88] =	vst v1  }
0x13e: {  	v1 =	vld [tilespmem:s7+$0x50D8];
	_ =	sdelay $0x4  }
0x13f: {  	v1 =	vmax.f32 v1, v2  }
0x140: {  	v2 =	vld [tilespmem:s3+$0xA8];
	[tilespmem:s3+$0x98] =	vst v1  }
0x141: {  	v1 =	vld [tilespmem:s7+$0x50E8];
	_ =	sdelay $0x4  }
0x142: {  	v1 =	vmax.f32 v1, v2  }
0x143: {  	v2 =	vld [tilespmem:s3+$0xB8];
	[tilespmem:s3+$0xA8] =	vst v1  }
0x144: {  	v1 =	vld [tilespmem:s7+$0x50F8];
	_ =	sdelay $0x3  }
0x145: {  	p2 =	sgt.u32 s29, $0x270F8  }
0x146: {  	s7 =	sand.u32 @!p2 $0x3FFF8, s29;
	v1 =	vmax.f32 v1, v2  }
0x147: {  	s8 =	sadd.s32 $0x88, s3;
	[tilespmem:s3+$0xB8] =	vst v1;
	s3 =	sadd.s32 @!p2 s1, s7;
	s7 =	sand.u32 @!p2 $0x7, s29  }
0x148: {  	[hbm4b:s3+s7] =	stream.linear.scatter @!p2 [tilespmem:s8], [sflag:$0xC], $0x40, $0x38;
	[tilespmem:$0x1EF88] =	vst v63  }
0x149: {  	s3 =	simm.s32 $0x0  }
0x14a: {  	s3 =	simm.s32 @!p2 $0x100  }
0x14b: {  	s2 =	sadd.s32 s3, s2  }
.LBB2_20:
0x14c: {  	s3 =	sadd.s32 $0x1, s26  }
0x14d: {  	s7 =	smulhi.u32 $0xCCCCCCCD, s3;
	_ =	sdelay $0x1  }
0x14e: {  	v1 =	vld [tilespmem:s30+$0xFFFFFFE0];
	s7 =	sshrl.u32 s7, $0x8  }
0x14f: {  	s7 =	smul.u32 $0x140, s7;
	_ =	sdelay $0x1  }
0x150: {  	s26 =	ssub.s32 s3, s7  }
0x151: {  	s3 =	sshll.u32 s26, $0x6  }
0x152: {  	[tilespmem:s3+$0x88] =	vst v1  }
0x153: {  	v1 =	vld [tilespmem:s30+$0xFFFFFFF0];
	_ =	sdelay $0x4  }
0x154: {  	[tilespmem:s3+$0x98] =	vst v1  }
0x155: {  	v1 =	vld [tilespmem:s30+$0x0];
	_ =	sdelay $0x4  }
0x156: {  	[tilespmem:s3+$0xA8] =	vst v1  }
0x157: {  	v1 =	vld [tilespmem:s30+$0x10]  }
.Ltmp17:
0x158: {  	_ = 	snop;
	(pc) =	sbr.rel .LBB2_21-.Ltmp17, $2  }
0x159: {  	_ =	sdelay $0x2  }
0x15a: {  	s0 =	sadd.s32 $0x1, s0;
	[tilespmem:s3+$0xB8] =	vst v1  }
.LBB2_23:
.Ltmp18:
0x15b: {  	(pc) =	sbr.rel .LBB2_24-.Ltmp18, $4  }
0x15c: {  	_ = 	snop  }
0x15d: {  	s0 =	simm.s32 $0x2  }
0x15e: {  	_ =	swait.ge [sflag:s0], $0x0  }
0x15f: {  	s5 =	smov.u32 s29;
	[sflag:s0] =	ssyncset.done $0x0;
	s0 =	simm.s32 $0x0  }
.LBB2_26:
0x160: {  	_ =	sfence.sel $0x180000  }
0x161: {  	s0 =	simm.s32 $0x9;
	[bflag:$0x0] =	sbarrier.arrive $0xFFFF  }
0x162: {  	s24 =	simm.s32 $0xA;
	[sflag:s0] =	ssyncpa.u1 $0x1  }
0x163: {  	s25 =	simm.s32 $0xB;
	[sflag:s24] =	ssyncpa.u1 $0x1  }
0x164: {  	s26 =	simm.s32 $0x2;
	[sflag:s25] =	ssyncpa.u1 $0x1  }
0x165: {  	[sflag:s26] =	ssyncpa.u1 $0x1  }
0x166: {  	v0 =	vld [tilespmem:$0xA108];
	_ =	sdelay $0x4  }
0x167: {  	(v2sf) =	vpush v0, $0x0  }
0x168: {  	(v2sf) =	vpush v0, $0x1;
	_ =	sdelay $0x1  }
0x169: {  	(v2sf) =	vpush v0, $0x2;
	_ =	sdelay $0xb  }
0x16a: {  	s0 =	spop (v2sf)  }
0x16b: {  	s2 =	spop (v2sf)  }
0x16c: {  	s3 =	smov.u32 s0;
	p0 =	sne.s32 s0, s2  }
0x16d: {  	s4 =	spop (v2sf);
	s3 =	simm.s32 @!p0 $0xFFFFFFFF  }
0x16e: {  	v2 =	vimm.s32 $0x1;
	v3 =	vlaneseq.u32;
	p0 =	seq.s32 s4, $0xFFFFFFFF;
	v1 =	vmov s3  }
0x16f: {  	s14 =	stileid.u32;
	v0 =	vperm.xlane v0, v2;
	p1 =	sne.s32 @!p0 s0, s2;
	v1 =	vperm.xlane v1, v3  }
0x170: {  	vm0 =	vcmask $0x3F04;
	s6 =	simm.s32 $0xA108;
	s0 =	simm.s32 @!p0 $0x1;
	p1 =	por !p1, p0  }
0x171: {  	s3 =	sshll.u32 s14, $0x1;
	s2 =	sshll.u32 @!p0 s4, $0x8;
	s0 =	simm.s32 @p1 $0x0;
	v0 =	vsel vm0, v1, v0  }
0x172: {  	s5 =	sor.u32 $0x800, s3;
	s2 =	sshra.s32 @!p0 s2, $0x2;
	s0 =	sor.u32 @!p0 s0, s3;
	[tilespmem:$0xA108] =	vst v0  }
0x173: {  	[spmem:s5] =	stream.linear.scatter [tilespmem:s6], [sflag:$0x1], $0x2, $0x38;
	[tilespmem:$0x1EF88] =	vst v63  }
0x174: {  	s2 =	sadd.s32 @!p0 $0x88, s2;
	s0 =	sshll.u32 @!p0 s0, $0x6  }
0x175: {  	[spmem:s0] =	stream.linear.scatter @!p0 [tilespmem:s2], [sflag:$0x1], $0x40, $0x38;
	[tilespmem:$0x1EF88] =	vst v63  }
0x176: {  	s0 =	simm.s32 @!p0 $0x42  }
0x177: {  	s28 =	simm.s32 $0x1;
	s0 =	simm.s32 @p0 $0x2  }
0x178: {  	_ =	swait.ge [sflag:s28], s0  }
0x179: {  	s0 =	ssub.s32 $0x0, s0;
	[sflag:s28] =	ssyncset.done $0x0  }
0x17a: {  	p0 =	sne.s32 s14, $0x0;
	[sflag:s28] =	ssyncadd.s32 s0  }
.Ltmp19:
0x17b: {  	_ =	sfence.stream.spmem;
	(pc) =	sbr.rel @p0 .LBB2_43-.Ltmp19, $4  }
0x17c: {  	s29 =	simm.s32 $0x3;
	[bflag:$0x0] =	sbarrier.arrive $0xFFFF  }
0x17d: {  	s30 =	simm.s32 $0x4;
	[sflag:s29] =	ssyncpa.u1 $0x1  }
0x17e: {  	s31 =	simm.s32 $0x3C;
	[sflag:s30] =	ssyncpa.u1 $0x1  }
0x17f: {  	s13 =	rddreg [dreg:$0x4];
	[sflag:s31] =	ssyncpa.u1 $0x1  }
0x180: {  	_ =	sfence.stream.spmem;
	s0 =	simm.s32 $0x5  }
0x181: {  	s2 =	simm.s32 $0x800;
	s3 =	simm.s32 $0xA118;
	[sflag:s0] =	ssyncpa.u1 $0x0  }
0x182: {  	[tilespmem:s3], [sflag:$0x5] =	stream.linear.gather [spmem:s2], $0x20, $0x38;
	[tilespmem:$0x1EF88] =	vst v63  }
0x183: {  	s26 =	simm.s32 $0x0;
	s28 =	simm.s32 $0xA138  }
0x184: {  	[tilespmem:s28], [sflag:$0x5] =	stream.linear.gather [spmem:s26], $0x800, $0x38;
	[tilespmem:$0x1EF88] =	vst v63  }
0x185: {  	_ =	swait.ge [sflag:s0], $0x820  }
0x186: {  	[sflag:s0] =	ssyncset.done $0x0  }
0x187: {  	s29 =	simm.s32 $0x0;
	[sflag:s0] =	ssyncadd.s32 $0xFFFFF7E0  }
0x188: {  	v0 =	vld.msk [tilespmem:s29+$0xA118], $0x1;
	_ =	sdelay $0x1  }
0x189: {  	s30 =	simm.s32 $0x1  }
0x18a: {  	v1 =	vld.msk [tilespmem:s30+$0xA118], $0x1;
	_ =	sdelay $0x1  }
0x18b: {  	(v2sf) =	vpush v0, $0x0;
	_ =	sdelay $0x2  }
0x18c: {  	(v2sf) =	vpush v1, $0x0;
	_ =	sdelay $0x2  }
0x18d: {  	s31 =	simm.s32 $0x2  }
0x18e: {  	v0 =	vld.msk [tilespmem:s31+$0xA118], $0x1;
	_ =	sdelay $0x2  }
0x18f: {  	s2 =	simm.s32 $0xFFFFFFFF;
	s3 =	simm.s32 $0xFFFFFFFF;
	s0 =	simm.s32 $0xC  }
.LBB2_28:
0x190: {  	s4 =	smov.u32 s3;
	s5 =	smov.u32 s2  }
0x191: {  	s2 =	sshra.s32 s0, $0x2;
	p1 =	sne.s32 s0, $0x7C;
	s0 =	sadd.s32 $0x4, s0;
	(v2sf) =	vpush v0, $0x0  }
0x192: {  	v0 =	vld.msk [tilespmem:s2+$0xA118], $0x1  }
.Ltmp20:
0x193: {  	(pc) =	sbr.rel @p1 .LBB2_28-.Ltmp20, $4  }
0x194: {  	s3 =	spop (v2sf)  }
0x195: {  	p2 =	sne.s32 s5, $0xFFFFFFFF;
	s2 =	smov.u32 s3  }
0x196: {  	p3 =	seq.s32 s3, $0xFFFFFFFF;
	s2 =	smov.u32 @p2 s5  }
0x197: {  	s3 =	smov.u32 @p3 s4;
	s2 =	smov.u32 @p3 s5  }
0x198: {  	(v2sf) =	vpush v0, $0x0;
	_ =	sdelay $0x8  }
0x199: {  	s0 =	spop (v2sf)  }
0x19a: {  	p1 =	sne.s32 s2, $0xFFFFFFFF;
	s4 =	smov.u32 s0  }
0x19b: {  	s6 =	simm.s32 $0x0;
	p2 =	seq.s32 s0, $0xFFFFFFFF;
	s4 =	smov.u32 @p1 s2  }
0x19c: {  	s9 =	simm.s32 $0xA0C8;
	s4 =	smov.u32 @p2 s2;
	s2 =	spop (v2sf)  }
0x19d: {  	s0 =	smov.u32 @p2 s3;
	p1 =	sne.s32 s4, $0xFFFFFFFF;
	s5 =	smov.u32 s2  }
.Ltmp21:
0x19e: {  	p2 =	seq.s32 s2, $0xFFFFFFFF;
	s5 =	smov.u32 @p1 s4;
	(pc) =	sbr.rel .LBB2_30-.Ltmp21, $4  }
0x19f: {  	s10 =	simm.s32 $0x0;
	s5 =	smov.u32 @p2 s4;
	s7 =	spop (v2sf)  }
0x1a0: {  	s2 =	smov.u32 @p2 s0;
	p1 =	sne.s32 s5, $0xFFFFFFFF;
	s8 =	smov.u32 s7  }
0x1a1: {  	s0 =	simm.s32 $0x6;
	p2 =	seq.s32 s7, $0xFFFFFFFF;
	s8 =	smov.u32 @p1 s5  }
0x1a2: {  	[sflag:s0] =	ssyncpa.u1 $0x0;
	s7 =	smov.u32 @p2 s2;
	s8 =	smov.u32 @p2 s5  }
.LBB2_36:
0x1a3: {  	p1 =	sgt.u32 s2, $0x270F8  }
0x1a4: {  	p2 =	seq.s32 @!p1 s2, s8  }
0x1a5: {  	p1 =	por p1, p2  }
0x1a6: {  	p2 =	sne.s32 @!p1 s2, s7  }
0x1a7: {  	p1 =	por p1, !p2  }
0x1a8: {  	s2 =	sshll.u32 @p1 s10, $0x8  }
0x1a9: {  	s3 =	sand.u32 @!p1 $0x3FFF8, s2  }
0x1aa: {  	s2 =	sand.u32 @!p1 $0x7, s2;
	s3 =	sadd.s32 @!p1 s1, s3  }
0x1ab: {  	[tilespmem:s9], [sflag:$0x6] =	stream.linear.gather @!p1 [hbm4b:s3+s2], $0x40, $0x38;
	[tilespmem:$0x1EF88] =	vst v63  }
0x1ac: {  	_ =	swait.ge @!p1 [sflag:s0], $0x40  }
0x1ad: {  	[sflag:s0] =	ssyncset.done @!p1 $0x0  }
0x1ae: {  	s2 =	sshll.u32 @!p1 s10, $0x8;
	[sflag:s0] =	ssyncadd.s32 @!p1 $0xFFFFFFC0  }
0x1af: {  	s3 =	sshrl.u32 @!p1 s2, $0x2;
	v1 =	vld @!p1 [tilespmem:$0xA0C8]  }
0x1b0: {  	v2 =	vld @!p1 [tilespmem:s3+$0xA138];
	_ =	sdelay $0x4  }
0x1b1: {  	v1 =	vmax.f32 @!p1 v1, v2  }
0x1b2: {  	v2 =	vld @!p1 [tilespmem:s3+$0xA148];
	[tilespmem:s3+$0xA138] =	vst @!p1 v1  }
0x1b3: {  	v1 =	vld @!p1 [tilespmem:$0xA0D8];
	_ =	sdelay $0x4  }
0x1b4: {  	v1 =	vmax.f32 @!p1 v1, v2  }
0x1b5: {  	v2 =	vld @!p1 [tilespmem:s3+$0xA158];
	[tilespmem:s3+$0xA148] =	vst @!p1 v1  }
0x1b6: {  	v1 =	vld @!p1 [tilespmem:$0xA0E8];
	_ =	sdelay $0x4  }
0x1b7: {  	v1 =	vmax.f32 @!p1 v1, v2  }
0x1b8: {  	v2 =	vld @!p1 [tilespmem:s3+$0xA168];
	[tilespmem:s3+$0xA158] =	vst @!p1 v1  }
0x1b9: {  	v1 =	vld @!p1 [tilespmem:$0xA0F8];
	_ =	sdelay $0x4  }
0x1ba: {  	v1 =	vmax.f32 @!p1 v1, v2  }
0x1bb: {  	[tilespmem:s3+$0xA168] =	vst @!p1 v1  }
0x1bc: {  	s2 =	sshrl.u32 s2, $0x2;
	[tilespmem:s6+$0xA118] =	vst.msk $0x1, v0  }
0x1bd: {  	v0 =	vld [tilespmem:s2+$0xA138];
	_ =	sdelay $0x2  }
0x1be: {  	s31 =	sshll.u32 s6, $0x8  }
0x1bf: {  	s3 =	sshra.s32 s31, $0x2  }
0x1c0: {  	[tilespmem:s3+$0xA138] =	vst v0  }
0x1c1: {  	v0 =	vld [tilespmem:s2+$0xA148];
	_ =	sdelay $0x4  }
0x1c2: {  	[tilespmem:s3+$0xA148] =	vst v0  }
0x1c3: {  	v0 =	vld [tilespmem:s2+$0xA158];
	_ =	sdelay $0x4  }
0x1c4: {  	[tilespmem:s3+$0xA158] =	vst v0  }
0x1c5: {  	v0 =	vld [tilespmem:s2+$0xA168];
	_ =	sdelay $0x4  }
0x1c6: {  	s6 =	sadd.s32 $0x1, s6;
	[tilespmem:s3+$0xA168] =	vst v0  }
.LBB2_37:
0x1c7: {  	s10 =	sadd.s32 $0x1, s10  }
0x1c8: {  	p1 =	sne.s32 s10, $0x20  }
.Ltmp22:
0x1c9: {  	_ = 	snop;
	(pc) =	sbr.rel @!p1 .LBB2_38-.Ltmp22, $1  }
0x1ca: {  	_ =	sdelay $0x3  }
.LBB2_30:
0x1cb: {  	v0 =	vld.msk [tilespmem:s10+$0xA118], $0x1;
	_ =	sdelay $0x4  }
0x1cc: {  	(v2sf) =	vpush v0, $0x0;
	_ =	sdelay $0xe  }
0x1cd: {  	s2 =	spop (v2sf)  }
0x1ce: {  	p1 =	seq.s32 s2, $0xFFFFFFFF  }
.Ltmp23:
0x1cf: {  	_ = 	snop;
	(pc) =	sbr.rel @p1 .LBB2_37-.Ltmp23, $1  }
0x1d0: {  	_ =	sdelay $0x3  }
0x1d1: {  	p1 =	slt.s32 s6, $0x1  }
.Ltmp24:
0x1d2: {  	_ = 	snop;
	(pc) =	sbr.rel @p1 .LBB2_36-.Ltmp24, $1  }
0x1d3: {  	_ =	sdelay $0x3  }
0x1d4: {  	s3 =	simm.s32 $0xA118;
	p1 =	por $0x0, $0x0  }
0x1d5: {  	v1 =	vld.msk @!p1 [tilespmem:s3+$0x0], $0x1;
	_ =	sdelay $0x4  }
0x1d6: {  	(v2sf) =	vpush @!p1 v1, $0x0;
	_ =	sdelay $0xd  }
0x1d7: {  	p3 =	sne.s32 s6, $0x1  }
.Ltmp25:
0x1d8: {  	s4 =	spop @!p1 (v2sf);
	(pc) =	sbr.rel @!p3 .LBB2_34-.Ltmp25, $4  }
0x1d9: {  	p2 =	seq.s32 @!p1 s2, s4  }
0x1da: {  	s4 =	simm.s32 $0x0;
	p2 =	por !p2, p1  }
0x1db: {  	s11 =	simm.s32 $0xFFFFFFFF;
	s4 =	simm.s32 @p2 $0xFFFFFFFF  }
0x1dc: {  	s5 =	simm.s32 $0x1;
	s4 =	smov.u32 @p1 s11  }
.LBB2_33:
0x1dd: {  	s11 =	smov.u32 s4;
	p1 =	sne.s32 s4, $0xFFFFFFFF  }
0x1de: {  	s3 =	sadd.s32 $0x1, s3;
	s4 =	smov.u32 s5;
	s5 =	sadd.s32 $0x1, s5  }
0x1df: {  	p2 =	sne.s32 s6, s5;
	v1 =	vld.msk @!p1 [tilespmem:s3+$0x0], $0x1;
	_ =	sdelay $0x4  }
0x1e0: {  	(v2sf) =	vpush @!p1 v1, $0x0;
	_ =	sdelay $0xe  }
.Ltmp26:
0x1e1: {  	s12 =	spop @!p1 (v2sf);
	(pc) =	sbr.rel @p2 .LBB2_33-.Ltmp26, $4  }
0x1e2: {  	p3 =	seq.s32 @!p1 s2, s12  }
0x1e3: {  	p3 =	por !p3, p1  }
0x1e4: {  	s4 =	simm.s32 @p3 $0xFFFFFFFF  }
0x1e5: {  	s4 =	smov.u32 @p1 s11  }
.LBB2_34:
0x1e6: {  	p1 =	seq.s32 s4, $0xFFFFFFFF  }
.Ltmp27:
0x1e7: {  	_ = 	snop;
	(pc) =	sbr.rel @p1 .LBB2_36-.Ltmp27, $1  }
0x1e8: {  	_ =	sdelay $0x3  }
0x1e9: {  	s2 =	sshll.u32 s10, $0x6  }
0x1ea: {  	s3 =	sshll.u32 s4, $0x8;
	s2 =	sand.u32 $0x3FFFFFC0, s2  }
0x1eb: {  	s3 =	sshra.s32 s3, $0x2;
	v0 =	vld [tilespmem:s2+$0xA138]  }
0x1ec: {  	v1 =	vld [tilespmem:s3+$0xA138];
	_ =	sdelay $0x4  }
0x1ed: {  	v0 =	vmax.f32 v0, v1  }
0x1ee: {  	v61 =	vld [tilespmem:s3+$0xA148];
	[tilespmem:s3+$0xA138] =	vst v0  }
0x1ef: {  	v0 =	vld [tilespmem:s2+$0xA148];
	_ =	sdelay $0x4  }
0x1f0: {  	v0 =	vmax.f32 v0, v61  }
0x1f1: {  	v62 =	vld [tilespmem:s3+$0xA158];
	[tilespmem:s3+$0xA148] =	vst v0  }
0x1f2: {  	v0 =	vld [tilespmem:s2+$0xA158];
	_ =	sdelay $0x4  }
0x1f3: {  	v0 =	vmax.f32 v0, v62  }
0x1f4: {  	v63 =	vld [tilespmem:s3+$0xA168];
	[tilespmem:s3+$0xA158] =	vst v0  }
0x1f5: {  	v0 =	vld [tilespmem:s2+$0xA168];
	_ =	sdelay $0x1  }
.Ltmp28:
0x1f6: {  	_ = 	snop;
	(pc) =	sbr.rel .LBB2_37-.Ltmp28, $3  }
0x1f7: {  	_ =	sdelay $0x1  }
0x1f8: {  	v0 =	vmax.f32 v0, v63  }
0x1f9: {  	[tilespmem:s3+$0xA168] =	vst v0  }
.LBB2_38:
0x1fa: {  	s0 =	simm.s32 $0x6;
	p1 =	seq.s32 s6, $0x0  }
0x1fb: {  	[sflag:s0] =	ssyncpa.u1 $0x1;
	v0 =	vimm.s32 @p1 $0xFFFFFFFF  }
0x1fc: {  	s0 =	sadd.s32 $0xFFFFFFFF, s6;
	[tilespmem:$0xA938] =	vst @p1 v0  }
0x1fd: {  	v0 =	vld.msk @!p1 [tilespmem:s0+$0xA118], $0x1;
	_ =	sdelay $0x1  }
0x1fe: {  	v1 =	vld.msk @!p1 [tilespmem:$0xA118], $0x1;
	_ =	sdelay $0x2  }
0x1ff: {  	p2 =	seq.s32 @!p1 s0, $0x0;
	v0 =	vbroadcast @!p1 v0, $0x0  }
0x200: {  	vm0 =	vmmov @!p1 $0x1;
	p2 =	por !p2, p1  }
0x201: {  	v1 =	vnsel @!p1 vm0, $0xFFFFFFFF, v1;
	vm0 =	vcmask @!p1 $0x308;
	v0 =	vpsel !p2, $0xFFFFFFFF, v0  }
0x202: {  	p2 =	sne.s32 @!p1 s8, s7;
	v0 =	vsel @!p1 vm0, v1, v0  }
0x203: {  	s2 =	simm.s32 @!p1 $0xA138;
	s3 =	simm.s32 @!p1 $0x0;
	p3 =	por !p2, p1;
	[tilespmem:$0xA938] =	vst @!p1 v0  }
0x204: {  	[spmem:s3] =	stream.linear.scatter @!p1 [tilespmem:s2], [sflag:$0x1], $0x40, $0x38;
	[tilespmem:$0x1EF88] =	vst v63  }
0x205: {  	s2 =	sshll.u32 @!p3 s0, $0x8  }
0x206: {  	s2 =	sshra.s32 @!p3 s2, $0x2  }
0x207: {  	s3 =	simm.s32 @!p3 $0x40;
	s2 =	sadd.s32 @!p3 $0xA138, s2  }
0x208: {  	[spmem:s3] =	stream.linear.scatter @!p3 [tilespmem:s2], [sflag:$0x1], $0x40, $0x38;
	[tilespmem:$0x1EF88] =	vst v63  }
0x209: {  	s2 =	simm.s32 @!p3 $0x1  }
0x20a: {  	_ =	swait.ge @!p3 [sflag:s2], $0x80  }
0x20b: {  	p1 =	por p2, p1;
	[sflag:s2] =	ssyncset.done @!p3 $0x0  }
0x20c: {  	[sflag:s2] =	ssyncadd.s32 @!p3 $0xFFFFFF80;
	s2 =	simm.s32 @!p1 $0x1  }
0x20d: {  	_ =	swait.ge @!p1 [sflag:s2], $0x40  }
0x20e: {  	s29 =	simm.s32 $0xA938;
	[sflag:s2] =	ssyncset.done @!p1 $0x0  }
0x20f: {  	s30 =	simm.s32 $0x800;
	s31 =	simm.s32 $0x1;
	[sflag:s2] =	ssyncadd.s32 @!p1 $0xFFFFFFC0  }
0x210: {  	[spmem:s30] =	stream.linear.scatter [tilespmem:s29], [sflag:$0x1], $0x10, $0x38;
	[tilespmem:$0x1EF88] =	vst v63  }
0x211: {  	_ =	swait.ge [sflag:s31], $0x10  }
0x212: {  	[sflag:s31] =	ssyncset.done $0x0  }
0x213: {  	p1 =	seq.s32 s13, $0x0;
	s9 =	rddreg [dreg:$0x1];
	[sflag:s31] =	ssyncadd.s32 $0xFFFFFFF0  }
0x214: {  	s3 =	sshll.u32 @p1 s9, $0xE;
	s8 =	rddreg [dreg:$0x2]  }
0x215: {  	s2 =	sadd.s32 @p1 $0x15C3C, s3;
	s3 =	sshll.u32 @p1 s8, $0x11  }
0x216: {  	_ =	sfence.stream.spmem;
	s2 =	sor.u32 @p1 s3, s2  }
0x217: {  	[sflag:s2] =	ssyncadd.remote.s32 @p1 $0x1;
	s2 =	simm.s32 @p1 $0x4  }
0x218: {  	s4 =	simm.s32 @!p1 $0x3C;
	s3 =	sand.u32 $0xFFFFFFFE, s9;
	_ =	swait.ge @p1 [sflag:s2], $0x12  }
0x219: {  	s5 =	simm.s32 @!p1 $0x0;
	s3 =	sadd.s32 @!p1 $0x4, s3;
	[sflag:s2] =	ssyncset.done @p1 $0x0  }
0x21a: {  	s7 =	simm.s32 @!p1 $0x80;
	[sflag:s2] =	ssyncadd.s32 @p1 $0xFFFFFFEE;
	s2 =	sshll.u32 @!p1 s3, $0x1A  }
0x21b: {  	s3 =	sshll.u32 @!p1 s3, $0xD;
	s2 =	sor.u32 @!p1 s2, s8;
	_ =	swait.eq @!p1 [sflag:s4], $0x1  }
0x21c: {  	s3 =	sor.u32 @!p1 $0x1C04, s3;
	s4 =	simm.s32 @!p1 $0x1C03;
	s2 =	sor.u32 @!p1 $0x80004000, s2  }
0x21d: {  	[spmem:s7], [sflag:s3] =	dma.general @!p1 [spmem:s5], [sflag:s4], length:$0x10, [dreg:$0x0], stride_count:$0x0, ici_dest:s2, dma_misc:DstOpCode:WRITE  }
0x21e: {  	p2 =	slt.s32 s0, $0x2;
	s5 =	simm.s32 @!p1 $0x100;
	s7 =	simm.s32 @!p1 $0x102  }
0x21f: {  	[spmem:s7], [sflag:s3] =	dma.general @!p1 [spmem:s5], [sflag:s4], length:$0x2, [dreg:$0x0], stride_count:$0x0, ici_dest:s2, dma_misc:DstOpCode:WRITE  }
.Ltmp29:
0x220: {  	s2 =	simm.s32 @!p1 $0x3;
	(pc) =	sbr.rel @p2 .LBB2_42-.Ltmp29, $4  }
0x221: {  	s3 =	sshll.u32 @!p1 s9, $0xE;
	_ =	swait.ge @!p1 [sflag:s2], $0x12  }
0x222: {  	s4 =	sshll.u32 @!p1 s8, $0x11;
	s3 =	sadd.s32 @!p1 $0x11C3C, s3;
	[sflag:s2] =	ssyncset.done @!p1 $0x0  }
0x223: {  	[sflag:s2] =	ssyncadd.s32 @!p1 $0xFFFFFFEE;
	s2 =	sor.u32 @!p1 s4, s3  }
0x224: {  	s0 =	simm.s32 $0x0;
	[sflag:s2] =	ssyncadd.remote.s32 @!p1 $0xFFFFFFFF  }
0x225: {  	s0 =	simm.s32 $0xA119  }
0x226: {  	v0 =	vld.msk [tilespmem:s0+$0x0], $0x1;
	_ =	sdelay $0x4  }
0x227: {  	(v2sf) =	vpush v0, $0x0;
	_ =	sdelay $0xc  }
0x228: {  	s2 =	sadd.s32 $0xFFFFFFFE, s6  }
0x229: {  	s2 =	sadd.s32 $0xFFFFFFFF, s2  }
0x22a: {  	p2 =	sne.s32 s2, $0x0;
	s3 =	spop (v2sf)  }
.Ltmp30:
0x22b: {  	p1 =	sgt.u32 s3, $0x270F8;
	(pc) =	sbr.rel @!p2 .LBB2_41-.Ltmp30, $4  }
0x22c: {  	s5 =	simm.s32 $0x0;
	s4 =	sand.u32 @!p1 $0x3FFF8, s3  }
0x22d: {  	s0 =	simm.s32 $0xA178;
	s3 =	sand.u32 @!p1 $0x7, s3;
	s4 =	sadd.s32 @!p1 s1, s4  }
0x22e: {  	[hbm4b:s4+s3] =	stream.linear.scatter @!p1 [tilespmem:s0], [sflag:$0x5], $0x40, $0x38;
	[tilespmem:$0x1EF88] =	vst v63  }
0x22f: {  	s5 =	simm.s32 @!p1 $0x100;
	s3 =	simm.s32 $0x0;
	s4 =	simm.s32 $0xA11A  }
.LBB2_40:
0x230: {  	v0 =	vld.msk [tilespmem:s4+$0x0], $0x1;
	s2 =	sadd.s32 $0xFFFFFFFF, s2;
	s3 =	sadd.s32 s3, s5  }
0x231: {  	p1 =	sne.s32 s2, $0x0;
	_ =	sdelay $0x3  }
0x232: {  	(v2sf) =	vpush v0, $0x0;
	_ =	sdelay $0xe  }
.Ltmp31:
0x233: {  	s6 =	spop (v2sf);
	(pc) =	sbr.rel @p1 .LBB2_40-.Ltmp31, $4  }
0x234: {  	s5 =	simm.s32 $0x0;
	p2 =	sgt.u32 s6, $0x270F8  }
0x235: {  	s0 =	sadd.s32 $0x40, s0;
	s5 =	simm.s32 @!p2 $0x100;
	s7 =	sand.u32 @!p2 $0x3FFF8, s6  }
0x236: {  	s4 =	sadd.s32 $0x1, s4;
	s6 =	sand.u32 @!p2 $0x7, s6;
	s7 =	sadd.s32 @!p2 s1, s7  }
0x237: {  	[hbm4b:s7+s6] =	stream.linear.scatter @!p2 [tilespmem:s0], [sflag:$0x5], $0x40, $0x38;
	[tilespmem:$0x1EF88] =	vst v63  }
.LBB2_41:
0x238: {  	s0 =	sadd.s32 s3, s5  }
0x239: {  	s0 =	sshrl.u32 s0, $0x2  }
.LBB2_42:
0x23a: {  	s2 =	simm.s32 $0x5  }
0x23b: {  	_ =	swait.ge [sflag:s2], s0  }
0x23c: {  	s31 =	ssub.s32 $0x0, s0;
	[sflag:s2] =	ssyncset.done $0x0  }
0x23d: {  	[sflag:s2] =	ssyncadd.s32 s31  }
0x23e: {  	[sflag:s2] =	ssyncpa.u1 $0x1  }
.LBB2_43:
0x23f: {  	s0 =	sor.u32 s13, s14  }
0x240: {  	p1 =	sne.s32 s0, $0x0  }
.Ltmp32:
0x241: {  	_ = 	snop;
	(pc) =	sbr.rel @p1 .LBB2_58-.Ltmp32, $3  }
0x242: {  	_ =	sdelay $0x1  }
0x243: {  	[bflag:$0x0] =	sbarrier.arrive $0xFFFF  }
0x244: {  	_ =	sfence  }
0x245: {  	s2 =	simm.s32 $0x7  }
0x246: {  	s0 =	simm.s32 $0x800;
	s3 =	simm.s32 $0xA118;
	[sflag:s2] =	ssyncpa.u1 $0x0  }
0x247: {  	[tilespmem:s3], [sflag:$0x7] =	stream.linear.gather [spmem:s0], $0x20, $0x38;
	[tilespmem:$0x1EF88] =	vst v63  }
0x248: {  	s30 =	simm.s32 $0xA138;
	s0 =	simm.s32 $0x0  }
0x249: {  	[tilespmem:s30], [sflag:$0x7] =	stream.linear.gather [spmem:s0], $0x800, $0x38;
	[tilespmem:$0x1EF88] =	vst v63  }
.Ltmp33:
0x24a: {  	_ = 	snop;
	(pc) =	sbr.rel .LBB2_45-.Ltmp33, $4  }
0x24b: {  	_ =	swait.ge [sflag:s2], $0x820  }
0x24c: {  	[sflag:s2] =	ssyncset.done $0x0  }
0x24d: {  	s31 =	simm.s32 $0x8;
	[sflag:s2] =	ssyncadd.s32 $0xFFFFF7E0  }
0x24e: {  	s2 =	simm.s32 $0x0;
	[sflag:s31] =	ssyncpa.u1 $0x0  }
.LBB2_51:
0x24f: {  	p1 =	slt.u32 s3, $0x270F9  }
0x250: {  	s4 =	sand.u32 @p1 $0x3FFF8, s3  }
0x251: {  	s3 =	sand.u32 @p1 $0x7, s3;
	s5 =	simm.s32 @p1 $0xA0C8;
	s4 =	sadd.s32 @p1 s1, s4  }
0x252: {  	[tilespmem:s5], [sflag:$0x8] =	stream.linear.gather @p1 [hbm4b:s4+s3], $0x40, $0x38;
	[tilespmem:$0x1EF88] =	vst v63  }
0x253: {  	s3 =	simm.s32 @p1 $0x8  }
0x254: {  	_ =	swait.ge @p1 [sflag:s3], $0x40  }
0x255: {  	[sflag:s3] =	ssyncset.done @p1 $0x0  }
0x256: {  	[sflag:s3] =	ssyncadd.s32 @p1 $0xFFFFFFC0;
	s3 =	sshll.u32 @p1 s2, $0x8  }
0x257: {  	s4 =	sshrl.u32 @p1 s3, $0x2;
	v1 =	vld @p1 [tilespmem:$0xA0C8]  }
0x258: {  	v2 =	vld @p1 [tilespmem:s4+$0xA138];
	_ =	sdelay $0x4  }
0x259: {  	v1 =	vmax.f32 @p1 v1, v2  }
0x25a: {  	v2 =	vld @p1 [tilespmem:s4+$0xA148];
	[tilespmem:s4+$0xA138] =	vst @p1 v1  }
0x25b: {  	v1 =	vld @p1 [tilespmem:$0xA0D8];
	_ =	sdelay $0x4  }
0x25c: {  	v1 =	vmax.f32 @p1 v1, v2  }
0x25d: {  	v2 =	vld @p1 [tilespmem:s4+$0xA158];
	[tilespmem:s4+$0xA148] =	vst @p1 v1  }
0x25e: {  	v1 =	vld @p1 [tilespmem:$0xA0E8];
	_ =	sdelay $0x4  }
0x25f: {  	v1 =	vmax.f32 @p1 v1, v2  }
0x260: {  	v2 =	vld @p1 [tilespmem:s4+$0xA168];
	[tilespmem:s4+$0xA158] =	vst @p1 v1  }
0x261: {  	v1 =	vld @p1 [tilespmem:$0xA0F8];
	_ =	sdelay $0x4  }
0x262: {  	s5 =	sshll.u32 @!p1 s2, $0x8;
	v1 =	vmax.f32 @p1 v1, v2  }
0x263: {  	s5 =	smov.u32 @p1 s3;
	[tilespmem:s4+$0xA168] =	vst @p1 v1  }
0x264: {  	s3 =	sshrl.u32 s5, $0x2;
	[tilespmem:s0+$0xA118] =	vst.msk $0x1, v0  }
0x265: {  	v0 =	vld [tilespmem:s3+$0xA138];
	_ =	sdelay $0x2  }
0x266: {  	s31 =	sshll.u32 s0, $0x8  }
0x267: {  	s4 =	sshra.s32 s31, $0x2  }
0x268: {  	[tilespmem:s4+$0xA138] =	vst v0  }
0x269: {  	v0 =	vld [tilespmem:s3+$0xA148];
	_ =	sdelay $0x4  }
0x26a: {  	[tilespmem:s4+$0xA148] =	vst v0  }
0x26b: {  	v0 =	vld [tilespmem:s3+$0xA158];
	_ =	sdelay $0x4  }
0x26c: {  	[tilespmem:s4+$0xA158] =	vst v0  }
0x26d: {  	v0 =	vld [tilespmem:s3+$0xA168];
	_ =	sdelay $0x4  }
0x26e: {  	s0 =	sadd.s32 $0x1, s0;
	[tilespmem:s4+$0xA168] =	vst v0  }
.LBB2_52:
0x26f: {  	s2 =	sadd.s32 $0x1, s2  }
0x270: {  	p1 =	sne.s32 s2, $0x20  }
.Ltmp34:
0x271: {  	_ = 	snop;
	(pc) =	sbr.rel @!p1 .LBB2_53-.Ltmp34, $1  }
0x272: {  	_ =	sdelay $0x3  }
.LBB2_45:
0x273: {  	v0 =	vld.msk [tilespmem:s2+$0xA118], $0x1;
	_ =	sdelay $0x4  }
0x274: {  	(v2sf) =	vpush v0, $0x0;
	_ =	sdelay $0xe  }
0x275: {  	s3 =	spop (v2sf)  }
0x276: {  	p1 =	seq.s32 s3, $0xFFFFFFFF  }
.Ltmp35:
0x277: {  	_ = 	snop;
	(pc) =	sbr.rel @p1 .LBB2_52-.Ltmp35, $1  }
0x278: {  	_ =	sdelay $0x3  }
0x279: {  	p1 =	slt.s32 s0, $0x1  }
.Ltmp36:
0x27a: {  	_ = 	snop;
	(pc) =	sbr.rel @p1 .LBB2_51-.Ltmp36, $1  }
0x27b: {  	_ =	sdelay $0x3  }
0x27c: {  	s4 =	simm.s32 $0xA118;
	p1 =	por $0x0, $0x0  }
0x27d: {  	v1 =	vld.msk @!p1 [tilespmem:s4+$0x0], $0x1;
	_ =	sdelay $0x4  }
0x27e: {  	(v2sf) =	vpush @!p1 v1, $0x0;
	_ =	sdelay $0xd  }
0x27f: {  	p3 =	sne.s32 s0, $0x1  }
.Ltmp37:
0x280: {  	s5 =	spop @!p1 (v2sf);
	(pc) =	sbr.rel @!p3 .LBB2_49-.Ltmp37, $4  }
0x281: {  	p2 =	seq.s32 @!p1 s3, s5  }
0x282: {  	s5 =	simm.s32 $0x0;
	p2 =	por !p2, p1  }
0x283: {  	s7 =	simm.s32 $0xFFFFFFFF;
	s5 =	simm.s32 @p2 $0xFFFFFFFF  }
0x284: {  	s6 =	simm.s32 $0x1;
	s5 =	smov.u32 @p1 s7  }
.LBB2_48:
0x285: {  	s7 =	smov.u32 s5;
	p1 =	sne.s32 s5, $0xFFFFFFFF  }
0x286: {  	s4 =	sadd.s32 $0x1, s4;
	s5 =	smov.u32 s6;
	s6 =	sadd.s32 $0x1, s6  }
0x287: {  	p2 =	sne.s32 s0, s6;
	v1 =	vld.msk @!p1 [tilespmem:s4+$0x0], $0x1;
	_ =	sdelay $0x4  }
0x288: {  	(v2sf) =	vpush @!p1 v1, $0x0;
	_ =	sdelay $0xe  }
.Ltmp38:
0x289: {  	s8 =	spop @!p1 (v2sf);
	(pc) =	sbr.rel @p2 .LBB2_48-.Ltmp38, $4  }
0x28a: {  	p3 =	seq.s32 @!p1 s3, s8  }
0x28b: {  	p3 =	por !p3, p1  }
0x28c: {  	s5 =	simm.s32 @p3 $0xFFFFFFFF  }
0x28d: {  	s5 =	smov.u32 @p1 s7  }
.LBB2_49:
0x28e: {  	p1 =	seq.s32 s5, $0xFFFFFFFF  }
.Ltmp39:
0x28f: {  	_ = 	snop;
	(pc) =	sbr.rel @p1 .LBB2_51-.Ltmp39, $1  }
0x290: {  	_ =	sdelay $0x3  }
0x291: {  	s3 =	sshll.u32 s2, $0x6  }
0x292: {  	s4 =	sshll.u32 s5, $0x8;
	s3 =	sand.u32 $0x3FFFFFC0, s3  }
0x293: {  	s4 =	sshra.s32 s4, $0x2;
	v0 =	vld [tilespmem:s3+$0xA138]  }
0x294: {  	v1 =	vld [tilespmem:s4+$0xA138];
	_ =	sdelay $0x4  }
0x295: {  	v0 =	vmax.f32 v0, v1  }
0x296: {  	v61 =	vld [tilespmem:s4+$0xA148];
	[tilespmem:s4+$0xA138] =	vst v0  }
0x297: {  	v0 =	vld [tilespmem:s3+$0xA148];
	_ =	sdelay $0x4  }
0x298: {  	v0 =	vmax.f32 v0, v61  }
0x299: {  	v62 =	vld [tilespmem:s4+$0xA158];
	[tilespmem:s4+$0xA148] =	vst v0  }
0x29a: {  	v0 =	vld [tilespmem:s3+$0xA158];
	_ =	sdelay $0x4  }
0x29b: {  	v0 =	vmax.f32 v0, v62  }
0x29c: {  	v63 =	vld [tilespmem:s4+$0xA168];
	[tilespmem:s4+$0xA158] =	vst v0  }
0x29d: {  	v0 =	vld [tilespmem:s3+$0xA168];
	_ =	sdelay $0x1  }
.Ltmp40:
0x29e: {  	_ = 	snop;
	(pc) =	sbr.rel .LBB2_52-.Ltmp40, $3  }
0x29f: {  	_ =	sdelay $0x1  }
0x2a0: {  	v0 =	vmax.f32 v0, v63  }
0x2a1: {  	[tilespmem:s4+$0xA168] =	vst v0  }
.LBB2_53:
0x2a2: {  	p1 =	slt.s32 s0, $0x1  }
.Ltmp41:
0x2a3: {  	_ = 	snop;
	(pc) =	sbr.rel @p1 .LBB2_57-.Ltmp41, $3  }
0x2a4: {  	_ =	sdelay $0x1  }
0x2a5: {  	s2 =	simm.s32 $0x8  }
0x2a6: {  	[sflag:s2] =	ssyncpa.u1 $0x1;
	s2 =	simm.s32 $0x0  }
0x2a7: {  	s3 =	simm.s32 $0xA118  }
0x2a8: {  	v0 =	vld.msk [tilespmem:s3+$0x0], $0x1;
	_ =	sdelay $0x4  }
0x2a9: {  	(v2sf) =	vpush v0, $0x0;
	_ =	sdelay $0xe  }
0x2aa: {  	s0 =	sadd.s32 $0xFFFFFFFF, s0;
	s4 =	spop (v2sf)  }
0x2ab: {  	p2 =	sne.s32 s0, $0x0;
	p1 =	sgt.u32 s4, $0x270F8  }
.Ltmp42:
0x2ac: {  	s5 =	sand.u32 @!p1 $0x3FFF8, s4;
	(pc) =	sbr.rel @!p2 .LBB2_56-.Ltmp42, $4  }
0x2ad: {  	s3 =	simm.s32 $0xA138;
	s4 =	sand.u32 @!p1 $0x7, s4;
	s5 =	sadd.s32 @!p1 s1, s5  }
0x2ae: {  	[hbm4b:s5+s4] =	stream.linear.scatter @!p1 [tilespmem:s3], [sflag:$0x7], $0x40, $0x38;
	[tilespmem:$0x1EF88] =	vst v63  }
0x2af: {  	s5 =	simm.s32 $0x0  }
0x2b0: {  	s4 =	simm.s32 $0xA119;
	s5 =	simm.s32 @!p1 $0x100  }
.LBB2_55:
0x2b1: {  	v0 =	vld.msk [tilespmem:s4+$0x0], $0x1;
	s0 =	sadd.s32 $0xFFFFFFFF, s0;
	s2 =	sadd.s32 s2, s5  }
0x2b2: {  	p1 =	sne.s32 s0, $0x0;
	_ =	sdelay $0x3  }
0x2b3: {  	(v2sf) =	vpush v0, $0x0;
	_ =	sdelay $0xe  }
.Ltmp43:
0x2b4: {  	s6 =	spop (v2sf);
	(pc) =	sbr.rel @p1 .LBB2_55-.Ltmp43, $4  }
0x2b5: {  	s5 =	simm.s32 $0x0;
	p2 =	sgt.u32 s6, $0x270F8  }
0x2b6: {  	s3 =	sadd.s32 $0x40, s3;
	s5 =	simm.s32 @!p2 $0x100;
	s7 =	sand.u32 @!p2 $0x3FFF8, s6  }
0x2b7: {  	s4 =	sadd.s32 $0x1, s4;
	s6 =	sand.u32 @!p2 $0x7, s6;
	s7 =	sadd.s32 @!p2 s1, s7  }
0x2b8: {  	[hbm4b:s7+s6] =	stream.linear.scatter @!p2 [tilespmem:s3], [sflag:$0x7], $0x40, $0x38;
	[tilespmem:$0x1EF88] =	vst v63  }
.LBB2_56:
0x2b9: {  	s0 =	sadd.s32 s2, s5  }
0x2ba: {  	s2 =	sshrl.u32 s0, $0x2  }
.LBB2_57:
0x2bb: {  	s0 =	simm.s32 $0x7  }
0x2bc: {  	_ =	swait.ge [sflag:s0], s2  }
0x2bd: {  	s1 =	ssub.s32 $0x0, s2;
	[sflag:s0] =	ssyncset.done $0x0  }
0x2be: {  	[sflag:s0] =	ssyncadd.s32 s1  }
0x2bf: {  	[sflag:s0] =	ssyncpa.u1 $0x1  }
.LBB2_58:
0x2c0: {  	_ =	sfence;
	s0 =	simm.s32 $0x1  }
0x2c1: {  	[sflag:s0] =	ssyncpa.u1 $0x1  }
0x2c2: {  	_ =	strace $0x9000004A  }
0x2c3: {  	[bflag:$0x2] =	sbarrier.arrive $0xFFFF  }
0x2c4: {  	s0 =	rddreg [dreg:$0x3]  }
0x2c5: {  	s0 =	sadd.s32 @!p0 $0x100000, s0  }
0x2c6: {  	[sflag:s0] =	ssyncadd.tile.s32 @!p0 $0x1;
	_ =	shalt  }
.Lfunc_end2:
_tile_overlayer_lowered:
.L_overlay_start_2:
0x2c7: {  	(tag) =	ssettag $0x2  }
0x2c8: {  	s0 =	rddreg [dreg:$0x0];
	s2 =	stileid.u32  }
0x2c9: {  	s1 =	rddreg [dreg:$0x1];
	p0 =	sne.s32 s2, $0x0  }
0x2ca: {  	s3 =	rddreg [dreg:$0x2];
	[bflag:$0x3] =	sbarrier.arrive $0xFFFF;
	s2 =	simm.s32 @!p0 $0x1C01  }
0x2cb: {  	[timem:s3], [sflag:s2] =	dma.local @!p0 [hbm:s0], s1  }
0x2cc: {  	s0 =	simm.s32 @!p0 $0x1  }
0x2cd: {  	_ =	swait.ge @!p0 [sflag:s0], s1  }
0x2ce: {  	s1 =	ssub.s32 @!p0 $0x0, s1;
	[sflag:s0] =	ssyncset.done @!p0 $0x0  }
0x2cf: {  	[sflag:s0] =	ssyncadd.s32 @!p0 s1  }
0x2d0: {  	[bflag:$0x3] =	sbarrier.arrive $0xFFFF  }
0x2d1: {  	_ =	shalt  }

</sc_bundles>
